<compile_context>
chip_gen: v7x
topology: tpu7x:2x2x1
jax: 0.10.2.dev20260603
libtpu: 0.0.44.dev20260713+nightly
codegen_flags: <defaults>
</compile_context>

<pallas_src>
import functools

import jax
import jax.numpy as jnp
from jax import lax
from jax.experimental import pallas as pl
from jax.experimental.pallas import tpu as pltpu
from jax.experimental.pallas import tpu_sc as plsc

_K = 8192
_D = 32
_N = 4096
_TM = 256
_GRID = _N // _TM
_BETA = 0.25

_info = plsc.get_sparse_core_info()
_NC, _NS, _L = _info.num_cores, _info.num_subcores, _info.num_lanes
_NW = _NC * _NS
_ROWS_W = _N // _NW
_ZROWS = 8
_NZ = _ROWS_W // _ZROWS

_mesh = plsc.VectorSubcoreMesh(core_axis_name="c", subcore_axis_name="s")


def _vq_body(z_ref, w_ref, zq_ref, idx_ref,
             loss_ref, perp_ref, meand_ref, acc_ref, counts_ref, colz_ref,
             sw8_ref, w16_ref):
    step = pl.program_id(0)

    z = z_ref[...]

    @pl.when(step == 0)
    def _sw_once():
        w = w_ref[...]
        sw_once = jnp.sum(w * w, axis=1)
        sw8_ref[...] = jnp.broadcast_to(sw_once[None, :], (8, _K))
        w16_ref[...] = w.astype(jnp.bfloat16)

    sz = jnp.sum(z * z, axis=1, keepdims=True)
    z16 = z.astype(jnp.bfloat16)
    w16 = w16_ref[...]
    m = lax.dot_general(z16, w16, (((1,), (1,)), ((), ())),
                        preferred_element_type=jnp.float32)
    m3 = m.reshape(_TM // 8, 8, _K)
    sz3 = sz.reshape(_TM // 8, 8, 1)
    d3 = (sz3 + sw8_ref[...][None, :, :]) - 2.0 * m3
    d = d3.reshape(_TM, _K)

    dmin = jnp.min(d, axis=1, keepdims=True)
    iota = lax.broadcasted_iota(jnp.int32, (_TM, _K), 1)
    idx = jnp.min(jnp.where(d == dmin, iota, _K), axis=1)
    idx_ref[...] = idx

    onehot = (iota == idx[:, None]).astype(jnp.float32)

    oh16 = onehot.astype(jnp.bfloat16)
    zq = lax.dot_general(oh16, w16, (((1,), (0,)), ((), ())),
                         preferred_element_type=jnp.float32)
    zq_ref[...] = zq

    part_sz = jnp.sum(sz)
    diff = zq - z
    part_sq = jnp.sum(diff * diff)
    part_colz = jnp.sum(z, axis=0, keepdims=True)
    part_counts = jnp.sum(onehot, axis=0, keepdims=True)

    @pl.when(step == 0)
    def _init():
        acc_ref[0] = part_sz
        acc_ref[1] = part_sq
        acc_ref[2] = jnp.sum(sw8_ref[0:1, :])
        counts_ref[...] = part_counts
        colz_ref[...] = part_colz

    @pl.when(step != 0)
    def _acc():
        acc_ref[0] += part_sz
        acc_ref[1] += part_sq
        counts_ref[...] += part_counts
        colz_ref[...] += part_colz

    @pl.when(step == _GRID - 1)
    def _finalize():
        colw = jnp.sum(w_ref[...], axis=0, keepdims=True)
        cross = jnp.sum(colz_ref[...] * colw)
        sum_d = _K * acc_ref[0] + _N * acc_ref[2] - 2.0 * cross
        meand_ref[...] = jnp.broadcast_to(sum_d / (_N * _K), (1, 1))
        msq = acc_ref[1] / (_N * _D)
        loss_ref[...] = jnp.broadcast_to(msq + _BETA * msq, (1, 1))
        e = counts_ref[...] * (1.0 / _N)
        ent = jnp.sum(e * jnp.log(e + 1e-10))
        perp_ref[...] = jnp.broadcast_to(jnp.exp(-ent), (1, 1))


@functools.partial(
    pl.kernel, mesh=_mesh,
    out_type=jax.ShapeDtypeStruct((_N * _K,), jnp.float32),
    scratch_types=[
        pltpu.VMEM((_ZROWS * _K,), jnp.float32),
        pltpu.VMEM((_ROWS_W,), jnp.int32),
        pltpu.VMEM((_ROWS_W,), jnp.int32),
        pltpu.VMEM((_ROWS_W,), jnp.float32),
        pltpu.SemaphoreType.DMA,
        pltpu.SemaphoreType.DMA,
    ],
)
def _sc_onehot(zeros_hbm, idx_hbm, out_hbm, zeros_v, idx_v, flat_v, ones_v,
               zsem, ssem):
    wid = lax.axis_index("s") * _NC + lax.axis_index("c")
    base = wid * _ROWS_W

    pltpu.sync_copy(zeros_hbm, zeros_v)
    pltpu.sync_copy(idx_hbm.at[pl.ds(base * 1, _ROWS_W)], idx_v)

    for t in range(_ROWS_W // _L):
        rows = base + t * _L + lax.iota(jnp.int32, _L)
        flat_v[pl.ds(t * _L, _L)] = rows * _K + idx_v[pl.ds(t * _L, _L)]
        ones_v[pl.ds(t * _L, _L)] = jnp.full((_L,), 1.0, jnp.float32)

    copies = []
    for j in range(_NZ):
        off = (base + j * _ZROWS) * _K
        copies.append(pltpu.async_copy(
            zeros_v, out_hbm.at[pl.ds(off, _ZROWS * _K)], zsem))
    for c in copies:
        c.wait()

    pltpu.async_copy(ones_v, out_hbm.at[flat_v], ssem).wait()


@jax.jit
def kernel(z, W):
    zp = jnp.transpose(z, (0, 2, 3, 4, 1))
    z_flat = zp.reshape(-1, _D)

    zq, idx, loss, perp, meand = pl.pallas_call(
        _vq_body,
        grid=(_GRID,),
        in_specs=[
            pl.BlockSpec((_TM, _D), lambda i: (i, 0)),
            pl.BlockSpec((_K, _D), lambda i: (0, 0)),
        ],
        out_specs=[
            pl.BlockSpec((_TM, _D), lambda i: (i, 0)),
            pl.BlockSpec((_TM,), lambda i: (i,)),
            pl.BlockSpec((1, 1), lambda i: (0, 0)),
            pl.BlockSpec((1, 1), lambda i: (0, 0)),
            pl.BlockSpec((1, 1), lambda i: (0, 0)),
        ],
        out_shape=[
            jax.ShapeDtypeStruct((_N, _D), jnp.float32),
            jax.ShapeDtypeStruct((_N,), jnp.int32),
            jax.ShapeDtypeStruct((1, 1), jnp.float32),
            jax.ShapeDtypeStruct((1, 1), jnp.float32),
            jax.ShapeDtypeStruct((1, 1), jnp.float32),
        ],
        scratch_shapes=[
            pltpu.SMEM((3,), jnp.float32),
            pltpu.VMEM((1, _K), jnp.float32),
            pltpu.VMEM((1, _D), jnp.float32),
            pltpu.VMEM((8, _K), jnp.float32),
            pltpu.VMEM((_K, _D), jnp.bfloat16),
        ],
    )(z_flat, W)

    zeros_tile = jnp.zeros((_ZROWS * _K,), jnp.float32)
    onehot = _sc_onehot(zeros_tile, idx).reshape(_N, _K)

    z_q = jnp.transpose(zq.reshape(zp.shape), (0, 4, 1, 2, 3))
    return (z_q, loss[0, 0], perp[0, 0], onehot, idx[:, None],
            meand[0, 0])

# --- scband reference (transcript-rebuilt; emitter-appended) ---
"""Pipeline reference for scband-vector-quantizer-27152783245576 (READ-ONLY COPY).

The authoritative reference and input builder live on the scoring server;
editing this copy changes nothing except your own understanding.
"""

import jax, jax.numpy as jnp
import numpy as np

CODEBOOK_SIZE = 8192
EMB_DIM = 32
BETA = 0.25


def setup_inputs(seed: int = 0) -> dict:
    key = jax.random.key(seed)
    k1, k2 = jax.random.split(key)
    z = jax.random.normal(k1, (1, EMB_DIM, 4, 32, 32), dtype=jnp.float32)
    W = jax.random.uniform(k2, (CODEBOOK_SIZE, EMB_DIM), dtype=jnp.float32,
                           minval=-1.0 / CODEBOOK_SIZE, maxval=1.0 / CODEBOOK_SIZE)
    return {"z": z, "W": W}


def reference(z, W):
    # z: [B, C, T, H, W] -> [B, T, H, W, C]
    zp = jnp.transpose(z, (0, 2, 3, 4, 1))
    z_flat = zp.reshape(-1, EMB_DIM)
    # squared L2 distances to every codebook entry
    d = (z_flat ** 2).sum(axis=1, keepdims=True) \
        + (W ** 2).sum(axis=1) \
        - 2.0 * jnp.matmul(z_flat, W.T)
    mean_distance = jnp.mean(d)
    min_encoding_indices = jnp.argmin(d, axis=1)[:, None]
    # one-hot encodings (scatter of ones)
    min_encodings = jax.nn.one_hot(min_encoding_indices[:, 0], CODEBOOK_SIZE, dtype=zp.dtype)
    # quantize via one-hot matmul (equivalent to gather W[idx])
    z_q = jnp.matmul(min_encodings, W).reshape(zp.shape)
    loss = jnp.mean((z_q - jax.lax.stop_gradient(zp)) ** 2) \
        + BETA * jnp.mean((jax.lax.stop_gradient(z_q) - zp) ** 2)
    # straight-through estimator
    z_q = zp + jax.lax.stop_gradient(z_q - zp)
    e_mean = jnp.mean(min_encodings, axis=0)
    perplexity = jnp.exp(-jnp.sum(e_mean * jnp.log(e_mean + 1e-10)))
    z_q = jnp.transpose(z_q, (0, 4, 1, 2, 3))
    return (z_q, loss, perplexity, min_encodings, min_encoding_indices, mean_distance)

if __name__ == "__main__":
    import jax
    _d = setup_inputs()
    print(jax.jit(kernel)(*tuple(_d.values())))

</pallas_src>

<mosaic_0001>
#map = affine_map<(d0, d1) -> (0)>
module attributes {stable_mosaic.version = 14 : i64} {
  func.func @_sc_onehot(%arg0: i32, %arg1: i32, %arg2: memref<65536xf32, #tpu.memory_space<hbm>>, %arg3: memref<4096xi32, #tpu.memory_space<hbm>>, %arg4: memref<33554432xf32, #tpu.memory_space<hbm>>, %arg5: memref<65536xf32, #tpu.memory_space<vmem>>, %arg6: memref<128xi32, #tpu.memory_space<vmem>>, %arg7: memref<128xi32, #tpu.memory_space<vmem>>, %arg8: memref<128xf32, #tpu.memory_space<vmem>>, %arg9: memref<!tpu.dma_semaphore, #tpu.memory_space<semaphore_mem>>, %arg10: memref<!tpu.dma_semaphore, #tpu.memory_space<semaphore_mem>>) attributes {dimension_semantics = [#tpu.dimension_semantics<core_parallel>, #tpu.dimension_semantics<subcore_parallel>], iteration_bounds = array<i64: 2, 16>, scalar_prefetch = 0 : i64, scratch_operands = 6 : i64, tpu.core_type = #tpu.core_type<sc_vector_subcore>, window_params = [{transform_indices = #map}, {transform_indices = #map}, {transform_indices = #map}]} {
    %mul3A = arith.constant 2 : i32
    %mul3A_0 = arith.muli %arg1, %mul3A : i32
    %add3A = arith.addi %mul3A_0, %arg0 : i32
    %mul3A_1 = arith.constant 128 : i32
    %mul3A_2 = arith.muli %add3A, %mul3A_1 : i32
    "tpu.region"() ({
      %run_scoped3A = tpu.sem_alloc : memref<!tpu.dma_semaphore, #tpu.memory_space<semaphore_mem>>
      tpu.enqueue_dma source(%arg2 : memref<65536xf32, #tpu.memory_space<hbm>>) target(%arg5 : memref<65536xf32, #tpu.memory_space<vmem>>) target_semaphore(%run_scoped3A : memref<!tpu.dma_semaphore, #tpu.memory_space<semaphore_mem>>)
      tpu.wait_dma2 semaphore(%run_scoped3A : memref<!tpu.dma_semaphore, #tpu.memory_space<semaphore_mem>>) src(%arg2 : memref<65536xf32, #tpu.memory_space<hbm>>) dst(%arg5 : memref<65536xf32, #tpu.memory_space<vmem>>)
      tpu.yield
    }) : () -> ()
    %mul3A_3 = arith.constant 1 : i32
    %mul3A_4 = arith.muli %mul3A_2, %mul3A_3 : i32
    "tpu.region"() ({
      %run_scoped3A = tpu.sem_alloc : memref<!tpu.dma_semaphore, #tpu.memory_space<semaphore_mem>>
      %dma_start3A_307 = tpu.memref_slice %arg3[%mul3A_4] : memref<4096xi32, #tpu.memory_space<hbm>> -> memref<128xi32, #tpu.memory_space<hbm>>
      %dma_start3A_308 = tpu.memref_slice %arg3[%mul3A_4] : memref<4096xi32, #tpu.memory_space<hbm>> -> memref<128xi32, #tpu.memory_space<hbm>>
      tpu.enqueue_dma source(%dma_start3A_308 : memref<128xi32, #tpu.memory_space<hbm>>) target(%arg6 : memref<128xi32, #tpu.memory_space<vmem>>) target_semaphore(%run_scoped3A : memref<!tpu.dma_semaphore, #tpu.memory_space<semaphore_mem>>)
      %dma_wait3A_309 = tpu.memref_slice %arg3[%mul3A_4] : memref<4096xi32, #tpu.memory_space<hbm>> -> memref<128xi32, #tpu.memory_space<hbm>>
      %dma_wait3A_310 = tpu.memref_slice %arg3[%mul3A_4] : memref<4096xi32, #tpu.memory_space<hbm>> -> memref<128xi32, #tpu.memory_space<hbm>>
      tpu.wait_dma2 semaphore(%run_scoped3A : memref<!tpu.dma_semaphore, #tpu.memory_space<semaphore_mem>>) src(%dma_wait3A_310 : memref<128xi32, #tpu.memory_space<hbm>>) dst(%arg6 : memref<128xi32, #tpu.memory_space<vmem>>)
      tpu.yield
    }) : () -> ()
    %add3A_5 = arith.constant 0 : i32
    %add3A_6 = arith.addi %mul3A_2, %add3A_5 : i32
    %iota3A = tpu.iota {dimensions = array<i32: 0>} : vector<16xi32>
    %add3A_7 = vector.broadcast %add3A_6 : i32 to vector<16xi32>
    %add3A_8 = arith.addi %add3A_7, %iota3A : vector<16xi32>
    %mul3A_9 = arith.constant 8192 : i32
    %mul3A_10 = vector.broadcast %mul3A_9 : i32 to vector<16xi32>
    %mul3A_11 = arith.muli %add3A_8, %mul3A_10 : vector<16xi32>
    %get3A = arith.constant 0 : index
    %get3A_12 = tpu.vector_load %arg6[%get3A] {strides = array<i32>} : memref<128xi32, #tpu.memory_space<vmem>>, vector<16xi32>,
    %get3A_13 = vector.shape_cast %get3A_12 : vector<16xi32> to vector<16xi32>
    %add3A_14 = arith.addi %mul3A_11, %get3A_13 : vector<16xi32>
    %swap3A = arith.constant 0 : index
    %swap3A_15 = tpu.vector_load %arg7[%swap3A] {strides = array<i32>} : memref<128xi32, #tpu.memory_space<vmem>>, vector<16xi32>,
    %swap3A_16 = vector.shape_cast %swap3A_15 : vector<16xi32> to vector<16xi32>
    %swap3A_17 = vector.shape_cast %add3A_14 : vector<16xi32> to vector<16xi32>
    tpu.vector_store %arg7[%swap3A], %swap3A_17 {strides = array<i32>} : memref<128xi32, #tpu.memory_space<vmem>>, vector<16xi32>,
    %broadcast_in_dim3A = arith.constant 1.000000e+00 : f32
    %broadcast_in_dim3A_18 = vector.broadcast %broadcast_in_dim3A : f32 to vector<16xf32>
    %swap3A_19 = arith.constant 0 : index
    %swap3A_20 = tpu.vector_load %arg8[%swap3A_19] {strides = array<i32>} : memref<128xf32, #tpu.memory_space<vmem>>, vector<16xf32>,
    %swap3A_21 = vector.shape_cast %swap3A_20 : vector<16xf32> to vector<16xf32>
    %swap3A_22 = vector.shape_cast %broadcast_in_dim3A_18 : vector<16xf32> to vector<16xf32>
    tpu.vector_store %arg8[%swap3A_19], %swap3A_22 {strides = array<i32>} : memref<128xf32, #tpu.memory_space<vmem>>, vector<16xf32>,
    %add3A_23 = arith.constant 16 : i32
    %add3A_24 = arith.addi %mul3A_2, %add3A_23 : i32
    %iota3A_25 = tpu.iota {dimensions = array<i32: 0>} : vector<16xi32>
    %add3A_26 = vector.broadcast %add3A_24 : i32 to vector<16xi32>
    %add3A_27 = arith.addi %add3A_26, %iota3A_25 : vector<16xi32>
    %mul3A_28 = arith.constant 8192 : i32
    %mul3A_29 = vector.broadcast %mul3A_28 : i32 to vector<16xi32>
    %mul3A_30 = arith.muli %add3A_27, %mul3A_29 : vector<16xi32>
    %get3A_31 = arith.constant 16 : index
    %get3A_32 = tpu.vector_load %arg6[%get3A_31] {strides = array<i32>} : memref<128xi32, #tpu.memory_space<vmem>>, vector<16xi32>,
    %get3A_33 = vector.shape_cast %get3A_32 : vector<16xi32> to vector<16xi32>
    %add3A_34 = arith.addi %mul3A_30, %get3A_33 : vector<16xi32>
    %swap3A_35 = arith.constant 16 : index
    %swap3A_36 = tpu.vector_load %arg7[%swap3A_35] {strides = array<i32>} : memref<128xi32, #tpu.memory_space<vmem>>, vector<16xi32>,
    %swap3A_37 = vector.shape_cast %swap3A_36 : vector<16xi32> to vector<16xi32>
    %swap3A_38 = vector.shape_cast %add3A_34 : vector<16xi32> to vector<16xi32>
    tpu.vector_store %arg7[%swap3A_35], %swap3A_38 {strides = array<i32>} : memref<128xi32, #tpu.memory_space<vmem>>, vector<16xi32>,
    %broadcast_in_dim3A_39 = arith.constant 1.000000e+00 : f32
    %broadcast_in_dim3A_40 = vector.broadcast %broadcast_in_dim3A_39 : f32 to vector<16xf32>
    %swap3A_41 = arith.constant 16 : index
    %swap3A_42 = tpu.vector_load %arg8[%swap3A_41] {strides = array<i32>} : memref<128xf32, #tpu.memory_space<vmem>>, vector<16xf32>,
    %swap3A_43 = vector.shape_cast %swap3A_42 : vector<16xf32> to vector<16xf32>
    %swap3A_44 = vector.shape_cast %broadcast_in_dim3A_40 : vector<16xf32> to vector<16xf32>
    tpu.vector_store %arg8[%swap3A_41], %swap3A_44 {strides = array<i32>} : memref<128xf32, #tpu.memory_space<vmem>>, vector<16xf32>,
    %add3A_45 = arith.constant 32 : i32
    %add3A_46 = arith.addi %mul3A_2, %add3A_45 : i32
    %iota3A_47 = tpu.iota {dimensions = array<i32: 0>} : vector<16xi32>
    %add3A_48 = vector.broadcast %add3A_46 : i32 to vector<16xi32>
    %add3A_49 = arith.addi %add3A_48, %iota3A_47 : vector<16xi32>
    %mul3A_50 = arith.constant 8192 : i32
    %mul3A_51 = vector.broadcast %mul3A_50 : i32 to vector<16xi32>
    %mul3A_52 = arith.muli %add3A_49, %mul3A_51 : vector<16xi32>
    %get3A_53 = arith.constant 32 : index
    %get3A_54 = tpu.vector_load %arg6[%get3A_53] {strides = array<i32>} : memref<128xi32, #tpu.memory_space<vmem>>, vector<16xi32>,
    %get3A_55 = vector.shape_cast %get3A_54 : vector<16xi32> to vector<16xi32>
    %add3A_56 = arith.addi %mul3A_52, %get3A_55 : vector<16xi32>
    %swap3A_57 = arith.constant 32 : index
    %swap3A_58 = tpu.vector_load %arg7[%swap3A_57] {strides = array<i32>} : memref<128xi32, #tpu.memory_space<vmem>>, vector<16xi32>,
    %swap3A_59 = vector.shape_cast %swap3A_58 : vector<16xi32> to vector<16xi32>
    %swap3A_60 = vector.shape_cast %add3A_56 : vector<16xi32> to vector<16xi32>
    tpu.vector_store %arg7[%swap3A_57], %swap3A_60 {strides = array<i32>} : memref<128xi32, #tpu.memory_space<vmem>>, vector<16xi32>,
    %broadcast_in_dim3A_61 = arith.constant 1.000000e+00 : f32
    %broadcast_in_dim3A_62 = vector.broadcast %broadcast_in_dim3A_61 : f32 to vector<16xf32>
    %swap3A_63 = arith.constant 32 : index
    %swap3A_64 = tpu.vector_load %arg8[%swap3A_63] {strides = array<i32>} : memref<128xf32, #tpu.memory_space<vmem>>, vector<16xf32>,
    %swap3A_65 = vector.shape_cast %swap3A_64 : vector<16xf32> to vector<16xf32>
    %swap3A_66 = vector.shape_cast %broadcast_in_dim3A_62 : vector<16xf32> to vector<16xf32>
    tpu.vector_store %arg8[%swap3A_63], %swap3A_66 {strides = array<i32>} : memref<128xf32, #tpu.memory_space<vmem>>, vector<16xf32>,
    %add3A_67 = arith.constant 48 : i32
    %add3A_68 = arith.addi %mul3A_2, %add3A_67 : i32
    %iota3A_69 = tpu.iota {dimensions = array<i32: 0>} : vector<16xi32>
    %add3A_70 = vector.broadcast %add3A_68 : i32 to vector<16xi32>
    %add3A_71 = arith.addi %add3A_70, %iota3A_69 : vector<16xi32>
    %mul3A_72 = arith.constant 8192 : i32
    %mul3A_73 = vector.broadcast %mul3A_72 : i32 to vector<16xi32>
    %mul3A_74 = arith.muli %add3A_71, %mul3A_73 : vector<16xi32>
    %get3A_75 = arith.constant 48 : index
    %get3A_76 = tpu.vector_load %arg6[%get3A_75] {strides = array<i32>} : memref<128xi32, #tpu.memory_space<vmem>>, vector<16xi32>,
    %get3A_77 = vector.shape_cast %get3A_76 : vector<16xi32> to vector<16xi32>
    %add3A_78 = arith.addi %mul3A_74, %get3A_77 : vector<16xi32>
    %swap3A_79 = arith.constant 48 : index
    %swap3A_80 = tpu.vector_load %arg7[%swap3A_79] {strides = array<i32>} : memref<128xi32, #tpu.memory_space<vmem>>, vector<16xi32>,
    %swap3A_81 = vector.shape_cast %swap3A_80 : vector<16xi32> to vector<16xi32>
    %swap3A_82 = vector.shape_cast %add3A_78 : vector<16xi32> to vector<16xi32>
    tpu.vector_store %arg7[%swap3A_79], %swap3A_82 {strides = array<i32>} : memref<128xi32, #tpu.memory_space<vmem>>, vector<16xi32>,
    %broadcast_in_dim3A_83 = arith.constant 1.000000e+00 : f32
    %broadcast_in_dim3A_84 = vector.broadcast %broadcast_in_dim3A_83 : f32 to vector<16xf32>
    %swap3A_85 = arith.constant 48 : index
    %swap3A_86 = tpu.vector_load %arg8[%swap3A_85] {strides = array<i32>} : memref<128xf32, #tpu.memory_space<vmem>>, vector<16xf32>,
    %swap3A_87 = vector.shape_cast %swap3A_86 : vector<16xf32> to vector<16xf32>
    %swap3A_88 = vector.shape_cast %broadcast_in_dim3A_84 : vector<16xf32> to vector<16xf32>
    tpu.vector_store %arg8[%swap3A_85], %swap3A_88 {strides = array<i32>} : memref<128xf32, #tpu.memory_space<vmem>>, vector<16xf32>,
    %add3A_89 = arith.constant 64 : i32
    %add3A_90 = arith.addi %mul3A_2, %add3A_89 : i32
    %iota3A_91 = tpu.iota {dimensions = array<i32: 0>} : vector<16xi32>
    %add3A_92 = vector.broadcast %add3A_90 : i32 to vector<16xi32>
    %add3A_93 = arith.addi %add3A_92, %iota3A_91 : vector<16xi32>
    %mul3A_94 = arith.constant 8192 : i32
    %mul3A_95 = vector.broadcast %mul3A_94 : i32 to vector<16xi32>
    %mul3A_96 = arith.muli %add3A_93, %mul3A_95 : vector<16xi32>
    %get3A_97 = arith.constant 64 : index
    %get3A_98 = tpu.vector_load %arg6[%get3A_97] {strides = array<i32>} : memref<128xi32, #tpu.memory_space<vmem>>, vector<16xi32>,
    %get3A_99 = vector.shape_cast %get3A_98 : vector<16xi32> to vector<16xi32>
    %add3A_100 = arith.addi %mul3A_96, %get3A_99 : vector<16xi32>
    %swap3A_101 = arith.constant 64 : index
    %swap3A_102 = tpu.vector_load %arg7[%swap3A_101] {strides = array<i32>} : memref<128xi32, #tpu.memory_space<vmem>>, vector<16xi32>,
    %swap3A_103 = vector.shape_cast %swap3A_102 : vector<16xi32> to vector<16xi32>
    %swap3A_104 = vector.shape_cast %add3A_100 : vector<16xi32> to vector<16xi32>
    tpu.vector_store %arg7[%swap3A_101], %swap3A_104 {strides = array<i32>} : memref<128xi32, #tpu.memory_space<vmem>>, vector<16xi32>,
    %broadcast_in_dim3A_105 = arith.constant 1.000000e+00 : f32
    %broadcast_in_dim3A_106 = vector.broadcast %broadcast_in_dim3A_105 : f32 to vector<16xf32>
    %swap3A_107 = arith.constant 64 : index
    %swap3A_108 = tpu.vector_load %arg8[%swap3A_107] {strides = array<i32>} : memref<128xf32, #tpu.memory_space<vmem>>, vector<16xf32>,
    %swap3A_109 = vector.shape_cast %swap3A_108 : vector<16xf32> to vector<16xf32>
    %swap3A_110 = vector.shape_cast %broadcast_in_dim3A_106 : vector<16xf32> to vector<16xf32>
    tpu.vector_store %arg8[%swap3A_107], %swap3A_110 {strides = array<i32>} : memref<128xf32, #tpu.memory_space<vmem>>, vector<16xf32>,
    %add3A_111 = arith.constant 80 : i32
    %add3A_112 = arith.addi %mul3A_2, %add3A_111 : i32
    %iota3A_113 = tpu.iota {dimensions = array<i32: 0>} : vector<16xi32>
    %add3A_114 = vector.broadcast %add3A_112 : i32 to vector<16xi32>
    %add3A_115 = arith.addi %add3A_114, %iota3A_113 : vector<16xi32>
    %mul3A_116 = arith.constant 8192 : i32
    %mul3A_117 = vector.broadcast %mul3A_116 : i32 to vector<16xi32>
    %mul3A_118 = arith.muli %add3A_115, %mul3A_117 : vector<16xi32>
    %get3A_119 = arith.constant 80 : index
    %get3A_120 = tpu.vector_load %arg6[%get3A_119] {strides = array<i32>} : memref<128xi32, #tpu.memory_space<vmem>>, vector<16xi32>,
    %get3A_121 = vector.shape_cast %get3A_120 : vector<16xi32> to vector<16xi32>
    %add3A_122 = arith.addi %mul3A_118, %get3A_121 : vector<16xi32>
    %swap3A_123 = arith.constant 80 : index
    %swap3A_124 = tpu.vector_load %arg7[%swap3A_123] {strides = array<i32>} : memref<128xi32, #tpu.memory_space<vmem>>, vector<16xi32>,
    %swap3A_125 = vector.shape_cast %swap3A_124 : vector<16xi32> to vector<16xi32>
    %swap3A_126 = vector.shape_cast %add3A_122 : vector<16xi32> to vector<16xi32>
    tpu.vector_store %arg7[%swap3A_123], %swap3A_126 {strides = array<i32>} : memref<128xi32, #tpu.memory_space<vmem>>, vector<16xi32>,
    %broadcast_in_dim3A_127 = arith.constant 1.000000e+00 : f32
    %broadcast_in_dim3A_128 = vector.broadcast %broadcast_in_dim3A_127 : f32 to vector<16xf32>
    %swap3A_129 = arith.constant 80 : index
    %swap3A_130 = tpu.vector_load %arg8[%swap3A_129] {strides = array<i32>} : memref<128xf32, #tpu.memory_space<vmem>>, vector<16xf32>,
    %swap3A_131 = vector.shape_cast %swap3A_130 : vector<16xf32> to vector<16xf32>
    %swap3A_132 = vector.shape_cast %broadcast_in_dim3A_128 : vector<16xf32> to vector<16xf32>
    tpu.vector_store %arg8[%swap3A_129], %swap3A_132 {strides = array<i32>} : memref<128xf32, #tpu.memory_space<vmem>>, vector<16xf32>,
    %add3A_133 = arith.constant 96 : i32
    %add3A_134 = arith.addi %mul3A_2, %add3A_133 : i32
    %iota3A_135 = tpu.iota {dimensions = array<i32: 0>} : vector<16xi32>
    %add3A_136 = vector.broadcast %add3A_134 : i32 to vector<16xi32>
    %add3A_137 = arith.addi %add3A_136, %iota3A_135 : vector<16xi32>
    %mul3A_138 = arith.constant 8192 : i32
    %mul3A_139 = vector.broadcast %mul3A_138 : i32 to vector<16xi32>
    %mul3A_140 = arith.muli %add3A_137, %mul3A_139 : vector<16xi32>
    %get3A_141 = arith.constant 96 : index
    %get3A_142 = tpu.vector_load %arg6[%get3A_141] {strides = array<i32>} : memref<128xi32, #tpu.memory_space<vmem>>, vector<16xi32>,
    %get3A_143 = vector.shape_cast %get3A_142 : vector<16xi32> to vector<16xi32>
    %add3A_144 = arith.addi %mul3A_140, %get3A_143 : vector<16xi32>
    %swap3A_145 = arith.constant 96 : index
    %swap3A_146 = tpu.vector_load %arg7[%swap3A_145] {strides = array<i32>} : memref<128xi32, #tpu.memory_space<vmem>>, vector<16xi32>,
    %swap3A_147 = vector.shape_cast %swap3A_146 : vector<16xi32> to vector<16xi32>
    %swap3A_148 = vector.shape_cast %add3A_144 : vector<16xi32> to vector<16xi32>
    tpu.vector_store %arg7[%swap3A_145], %swap3A_148 {strides = array<i32>} : memref<128xi32, #tpu.memory_space<vmem>>, vector<16xi32>,
    %broadcast_in_dim3A_149 = arith.constant 1.000000e+00 : f32
    %broadcast_in_dim3A_150 = vector.broadcast %broadcast_in_dim3A_149 : f32 to vector<16xf32>
    %swap3A_151 = arith.constant 96 : index
    %swap3A_152 = tpu.vector_load %arg8[%swap3A_151] {strides = array<i32>} : memref<128xf32, #tpu.memory_space<vmem>>, vector<16xf32>,
    %swap3A_153 = vector.shape_cast %swap3A_152 : vector<16xf32> to vector<16xf32>
    %swap3A_154 = vector.shape_cast %broadcast_in_dim3A_150 : vector<16xf32> to vector<16xf32>
    tpu.vector_store %arg8[%swap3A_151], %swap3A_154 {strides = array<i32>} : memref<128xf32, #tpu.memory_space<vmem>>, vector<16xf32>,
    %add3A_155 = arith.constant 112 : i32
    %add3A_156 = arith.addi %mul3A_2, %add3A_155 : i32
    %iota3A_157 = tpu.iota {dimensions = array<i32: 0>} : vector<16xi32>
    %add3A_158 = vector.broadcast %add3A_156 : i32 to vector<16xi32>
    %add3A_159 = arith.addi %add3A_158, %iota3A_157 : vector<16xi32>
    %mul3A_160 = arith.constant 8192 : i32
    %mul3A_161 = vector.broadcast %mul3A_160 : i32 to vector<16xi32>
    %mul3A_162 = arith.muli %add3A_159, %mul3A_161 : vector<16xi32>
    %get3A_163 = arith.constant 112 : index
    %get3A_164 = tpu.vector_load %arg6[%get3A_163] {strides = array<i32>} : memref<128xi32, #tpu.memory_space<vmem>>, vector<16xi32>,
    %get3A_165 = vector.shape_cast %get3A_164 : vector<16xi32> to vector<16xi32>
    %add3A_166 = arith.addi %mul3A_162, %get3A_165 : vector<16xi32>
    %swap3A_167 = arith.constant 112 : index
    %swap3A_168 = tpu.vector_load %arg7[%swap3A_167] {strides = array<i32>} : memref<128xi32, #tpu.memory_space<vmem>>, vector<16xi32>,
    %swap3A_169 = vector.shape_cast %swap3A_168 : vector<16xi32> to vector<16xi32>
    %swap3A_170 = vector.shape_cast %add3A_166 : vector<16xi32> to vector<16xi32>
    tpu.vector_store %arg7[%swap3A_167], %swap3A_170 {strides = array<i32>} : memref<128xi32, #tpu.memory_space<vmem>>, vector<16xi32>,
    %broadcast_in_dim3A_171 = arith.constant 1.000000e+00 : f32
    %broadcast_in_dim3A_172 = vector.broadcast %broadcast_in_dim3A_171 : f32 to vector<16xf32>
    %swap3A_173 = arith.constant 112 : index
    %swap3A_174 = tpu.vector_load %arg8[%swap3A_173] {strides = array<i32>} : memref<128xf32, #tpu.memory_space<vmem>>, vector<16xf32>,
    %swap3A_175 = vector.shape_cast %swap3A_174 : vector<16xf32> to vector<16xf32>
    %swap3A_176 = vector.shape_cast %broadcast_in_dim3A_172 : vector<16xf32> to vector<16xf32>
    tpu.vector_store %arg8[%swap3A_173], %swap3A_176 {strides = array<i32>} : memref<128xf32, #tpu.memory_space<vmem>>, vector<16xf32>,
    %add3A_177 = arith.constant 0 : i32
    %add3A_178 = arith.addi %mul3A_2, %add3A_177 : i32
    %mul3A_179 = arith.constant 8192 : i32
    %mul3A_180 = arith.muli %add3A_178, %mul3A_179 : i32
    %dma_start3A = tpu.memref_slice %arg4[%mul3A_180] : memref<33554432xf32, #tpu.memory_space<hbm>> -> memref<65536xf32, #tpu.memory_space<hbm>>
    %dma_start3A_181 = tpu.memref_slice %arg4[%mul3A_180] : memref<33554432xf32, #tpu.memory_space<hbm>> -> memref<65536xf32, #tpu.memory_space<hbm>>
    tpu.enqueue_dma source(%arg5 : memref<65536xf32, #tpu.memory_space<vmem>>) target(%dma_start3A_181 : memref<65536xf32, #tpu.memory_space<hbm>>) target_semaphore(%arg9 : memref<!tpu.dma_semaphore, #tpu.memory_space<semaphore_mem>>)
    %add3A_182 = arith.constant 8 : i32
    %add3A_183 = arith.addi %mul3A_2, %add3A_182 : i32
    %mul3A_184 = arith.constant 8192 : i32
    %mul3A_185 = arith.muli %add3A_183, %mul3A_184 : i32
    %dma_start3A_186 = tpu.memref_slice %arg4[%mul3A_185] : memref<33554432xf32, #tpu.memory_space<hbm>> -> memref<65536xf32, #tpu.memory_space<hbm>>
    %dma_start3A_187 = tpu.memref_slice %arg4[%mul3A_185] : memref<33554432xf32, #tpu.memory_space<hbm>> -> memref<65536xf32, #tpu.memory_space<hbm>>
    tpu.enqueue_dma source(%arg5 : memref<65536xf32, #tpu.memory_space<vmem>>) target(%dma_start3A_187 : memref<65536xf32, #tpu.memory_space<hbm>>) target_semaphore(%arg9 : memref<!tpu.dma_semaphore, #tpu.memory_space<semaphore_mem>>)
    %add3A_188 = arith.constant 16 : i32
    %add3A_189 = arith.addi %mul3A_2, %add3A_188 : i32
    %mul3A_190 = arith.constant 8192 : i32
    %mul3A_191 = arith.muli %add3A_189, %mul3A_190 : i32
    %dma_start3A_192 = tpu.memref_slice %arg4[%mul3A_191] : memref<33554432xf32, #tpu.memory_space<hbm>> -> memref<65536xf32, #tpu.memory_space<hbm>>
    %dma_start3A_193 = tpu.memref_slice %arg4[%mul3A_191] : memref<33554432xf32, #tpu.memory_space<hbm>> -> memref<65536xf32, #tpu.memory_space<hbm>>
    tpu.enqueue_dma source(%arg5 : memref<65536xf32, #tpu.memory_space<vmem>>) target(%dma_start3A_193 : memref<65536xf32, #tpu.memory_space<hbm>>) target_semaphore(%arg9 : memref<!tpu.dma_semaphore, #tpu.memory_space<semaphore_mem>>)
    %add3A_194 = arith.constant 24 : i32
    %add3A_195 = arith.addi %mul3A_2, %add3A_194 : i32
    %mul3A_196 = arith.constant 8192 : i32
    %mul3A_197 = arith.muli %add3A_195, %mul3A_196 : i32
    %dma_start3A_198 = tpu.memref_slice %arg4[%mul3A_197] : memref<33554432xf32, #tpu.memory_space<hbm>> -> memref<65536xf32, #tpu.memory_space<hbm>>
    %dma_start3A_199 = tpu.memref_slice %arg4[%mul3A_197] : memref<33554432xf32, #tpu.memory_space<hbm>> -> memref<65536xf32, #tpu.memory_space<hbm>>
    tpu.enqueue_dma source(%arg5 : memref<65536xf32, #tpu.memory_space<vmem>>) target(%dma_start3A_199 : memref<65536xf32, #tpu.memory_space<hbm>>) target_semaphore(%arg9 : memref<!tpu.dma_semaphore, #tpu.memory_space<semaphore_mem>>)
    %add3A_200 = arith.constant 32 : i32
    %add3A_201 = arith.addi %mul3A_2, %add3A_200 : i32
    %mul3A_202 = arith.constant 8192 : i32
    %mul3A_203 = arith.muli %add3A_201, %mul3A_202 : i32
    %dma_start3A_204 = tpu.memref_slice %arg4[%mul3A_203] : memref<33554432xf32, #tpu.memory_space<hbm>> -> memref<65536xf32, #tpu.memory_space<hbm>>
    %dma_start3A_205 = tpu.memref_slice %arg4[%mul3A_203] : memref<33554432xf32, #tpu.memory_space<hbm>> -> memref<65536xf32, #tpu.memory_space<hbm>>
    tpu.enqueue_dma source(%arg5 : memref<65536xf32, #tpu.memory_space<vmem>>) target(%dma_start3A_205 : memref<65536xf32, #tpu.memory_space<hbm>>) target_semaphore(%arg9 : memref<!tpu.dma_semaphore, #tpu.memory_space<semaphore_mem>>)
    %add3A_206 = arith.constant 40 : i32
    %add3A_207 = arith.addi %mul3A_2, %add3A_206 : i32
    %mul3A_208 = arith.constant 8192 : i32
    %mul3A_209 = arith.muli %add3A_207, %mul3A_208 : i32
    %dma_start3A_210 = tpu.memref_slice %arg4[%mul3A_209] : memref<33554432xf32, #tpu.memory_space<hbm>> -> memref<65536xf32, #tpu.memory_space<hbm>>
    %dma_start3A_211 = tpu.memref_slice %arg4[%mul3A_209] : memref<33554432xf32, #tpu.memory_space<hbm>> -> memref<65536xf32, #tpu.memory_space<hbm>>
    tpu.enqueue_dma source(%arg5 : memref<65536xf32, #tpu.memory_space<vmem>>) target(%dma_start3A_211 : memref<65536xf32, #tpu.memory_space<hbm>>) target_semaphore(%arg9 : memref<!tpu.dma_semaphore, #tpu.memory_space<semaphore_mem>>)
    %add3A_212 = arith.constant 48 : i32
    %add3A_213 = arith.addi %mul3A_2, %add3A_212 : i32
    %mul3A_214 = arith.constant 8192 : i32
    %mul3A_215 = arith.muli %add3A_213, %mul3A_214 : i32
    %dma_start3A_216 = tpu.memref_slice %arg4[%mul3A_215] : memref<33554432xf32, #tpu.memory_space<hbm>> -> memref<65536xf32, #tpu.memory_space<hbm>>
    %dma_start3A_217 = tpu.memref_slice %arg4[%mul3A_215] : memref<33554432xf32, #tpu.memory_space<hbm>> -> memref<65536xf32, #tpu.memory_space<hbm>>
    tpu.enqueue_dma source(%arg5 : memref<65536xf32, #tpu.memory_space<vmem>>) target(%dma_start3A_217 : memref<65536xf32, #tpu.memory_space<hbm>>) target_semaphore(%arg9 : memref<!tpu.dma_semaphore, #tpu.memory_space<semaphore_mem>>)
    %add3A_218 = arith.constant 56 : i32
    %add3A_219 = arith.addi %mul3A_2, %add3A_218 : i32
    %mul3A_220 = arith.constant 8192 : i32
    %mul3A_221 = arith.muli %add3A_219, %mul3A_220 : i32
    %dma_start3A_222 = tpu.memref_slice %arg4[%mul3A_221] : memref<33554432xf32, #tpu.memory_space<hbm>> -> memref<65536xf32, #tpu.memory_space<hbm>>
    %dma_start3A_223 = tpu.memref_slice %arg4[%mul3A_221] : memref<33554432xf32, #tpu.memory_space<hbm>> -> memref<65536xf32, #tpu.memory_space<hbm>>
    tpu.enqueue_dma source(%arg5 : memref<65536xf32, #tpu.memory_space<vmem>>) target(%dma_start3A_223 : memref<65536xf32, #tpu.memory_space<hbm>>) target_semaphore(%arg9 : memref<!tpu.dma_semaphore, #tpu.memory_space<semaphore_mem>>)
    %add3A_224 = arith.constant 64 : i32
    %add3A_225 = arith.addi %mul3A_2, %add3A_224 : i32
    %mul3A_226 = arith.constant 8192 : i32
    %mul3A_227 = arith.muli %add3A_225, %mul3A_226 : i32
    %dma_start3A_228 = tpu.memref_slice %arg4[%mul3A_227] : memref<33554432xf32, #tpu.memory_space<hbm>> -> memref<65536xf32, #tpu.memory_space<hbm>>
    %dma_start3A_229 = tpu.memref_slice %arg4[%mul3A_227] : memref<33554432xf32, #tpu.memory_space<hbm>> -> memref<65536xf32, #tpu.memory_space<hbm>>
    tpu.enqueue_dma source(%arg5 : memref<65536xf32, #tpu.memory_space<vmem>>) target(%dma_start3A_229 : memref<65536xf32, #tpu.memory_space<hbm>>) target_semaphore(%arg9 : memref<!tpu.dma_semaphore, #tpu.memory_space<semaphore_mem>>)
    %add3A_230 = arith.constant 72 : i32
    %add3A_231 = arith.addi %mul3A_2, %add3A_230 : i32
    %mul3A_232 = arith.constant 8192 : i32
    %mul3A_233 = arith.muli %add3A_231, %mul3A_232 : i32
    %dma_start3A_234 = tpu.memref_slice %arg4[%mul3A_233] : memref<33554432xf32, #tpu.memory_space<hbm>> -> memref<65536xf32, #tpu.memory_space<hbm>>
    %dma_start3A_235 = tpu.memref_slice %arg4[%mul3A_233] : memref<33554432xf32, #tpu.memory_space<hbm>> -> memref<65536xf32, #tpu.memory_space<hbm>>
    tpu.enqueue_dma source(%arg5 : memref<65536xf32, #tpu.memory_space<vmem>>) target(%dma_start3A_235 : memref<65536xf32, #tpu.memory_space<hbm>>) target_semaphore(%arg9 : memref<!tpu.dma_semaphore, #tpu.memory_space<semaphore_mem>>)
    %add3A_236 = arith.constant 80 : i32
    %add3A_237 = arith.addi %mul3A_2, %add3A_236 : i32
    %mul3A_238 = arith.constant 8192 : i32
    %mul3A_239 = arith.muli %add3A_237, %mul3A_238 : i32
    %dma_start3A_240 = tpu.memref_slice %arg4[%mul3A_239] : memref<33554432xf32, #tpu.memory_space<hbm>> -> memref<65536xf32, #tpu.memory_space<hbm>>
    %dma_start3A_241 = tpu.memref_slice %arg4[%mul3A_239] : memref<33554432xf32, #tpu.memory_space<hbm>> -> memref<65536xf32, #tpu.memory_space<hbm>>
    tpu.enqueue_dma source(%arg5 : memref<65536xf32, #tpu.memory_space<vmem>>) target(%dma_start3A_241 : memref<65536xf32, #tpu.memory_space<hbm>>) target_semaphore(%arg9 : memref<!tpu.dma_semaphore, #tpu.memory_space<semaphore_mem>>)
    %add3A_242 = arith.constant 88 : i32
    %add3A_243 = arith.addi %mul3A_2, %add3A_242 : i32
    %mul3A_244 = arith.constant 8192 : i32
    %mul3A_245 = arith.muli %add3A_243, %mul3A_244 : i32
    %dma_start3A_246 = tpu.memref_slice %arg4[%mul3A_245] : memref<33554432xf32, #tpu.memory_space<hbm>> -> memref<65536xf32, #tpu.memory_space<hbm>>
    %dma_start3A_247 = tpu.memref_slice %arg4[%mul3A_245] : memref<33554432xf32, #tpu.memory_space<hbm>> -> memref<65536xf32, #tpu.memory_space<hbm>>
    tpu.enqueue_dma source(%arg5 : memref<65536xf32, #tpu.memory_space<vmem>>) target(%dma_start3A_247 : memref<65536xf32, #tpu.memory_space<hbm>>) target_semaphore(%arg9 : memref<!tpu.dma_semaphore, #tpu.memory_space<semaphore_mem>>)
    %add3A_248 = arith.constant 96 : i32
    %add3A_249 = arith.addi %mul3A_2, %add3A_248 : i32
    %mul3A_250 = arith.constant 8192 : i32
    %mul3A_251 = arith.muli %add3A_249, %mul3A_250 : i32
    %dma_start3A_252 = tpu.memref_slice %arg4[%mul3A_251] : memref<33554432xf32, #tpu.memory_space<hbm>> -> memref<65536xf32, #tpu.memory_space<hbm>>
    %dma_start3A_253 = tpu.memref_slice %arg4[%mul3A_251] : memref<33554432xf32, #tpu.memory_space<hbm>> -> memref<65536xf32, #tpu.memory_space<hbm>>
    tpu.enqueue_dma source(%arg5 : memref<65536xf32, #tpu.memory_space<vmem>>) target(%dma_start3A_253 : memref<65536xf32, #tpu.memory_space<hbm>>) target_semaphore(%arg9 : memref<!tpu.dma_semaphore, #tpu.memory_space<semaphore_mem>>)
    %add3A_254 = arith.constant 104 : i32
    %add3A_255 = arith.addi %mul3A_2, %add3A_254 : i32
    %mul3A_256 = arith.constant 8192 : i32
    %mul3A_257 = arith.muli %add3A_255, %mul3A_256 : i32
    %dma_start3A_258 = tpu.memref_slice %arg4[%mul3A_257] : memref<33554432xf32, #tpu.memory_space<hbm>> -> memref<65536xf32, #tpu.memory_space<hbm>>
    %dma_start3A_259 = tpu.memref_slice %arg4[%mul3A_257] : memref<33554432xf32, #tpu.memory_space<hbm>> -> memref<65536xf32, #tpu.memory_space<hbm>>
    tpu.enqueue_dma source(%arg5 : memref<65536xf32, #tpu.memory_space<vmem>>) target(%dma_start3A_259 : memref<65536xf32, #tpu.memory_space<hbm>>) target_semaphore(%arg9 : memref<!tpu.dma_semaphore, #tpu.memory_space<semaphore_mem>>)
    %add3A_260 = arith.constant 112 : i32
    %add3A_261 = arith.addi %mul3A_2, %add3A_260 : i32
    %mul3A_262 = arith.constant 8192 : i32
    %mul3A_263 = arith.muli %add3A_261, %mul3A_262 : i32
    %dma_start3A_264 = tpu.memref_slice %arg4[%mul3A_263] : memref<33554432xf32, #tpu.memory_space<hbm>> -> memref<65536xf32, #tpu.memory_space<hbm>>
    %dma_start3A_265 = tpu.memref_slice %arg4[%mul3A_263] : memref<33554432xf32, #tpu.memory_space<hbm>> -> memref<65536xf32, #tpu.memory_space<hbm>>
    tpu.enqueue_dma source(%arg5 : memref<65536xf32, #tpu.memory_space<vmem>>) target(%dma_start3A_265 : memref<65536xf32, #tpu.memory_space<hbm>>) target_semaphore(%arg9 : memref<!tpu.dma_semaphore, #tpu.memory_space<semaphore_mem>>)
    %add3A_266 = arith.constant 120 : i32
    %add3A_267 = arith.addi %mul3A_2, %add3A_266 : i32
    %mul3A_268 = arith.constant 8192 : i32
    %mul3A_269 = arith.muli %add3A_267, %mul3A_268 : i32
    %dma_start3A_270 = tpu.memref_slice %arg4[%mul3A_269] : memref<33554432xf32, #tpu.memory_space<hbm>> -> memref<65536xf32, #tpu.memory_space<hbm>>
    %dma_start3A_271 = tpu.memref_slice %arg4[%mul3A_269] : memref<33554432xf32, #tpu.memory_space<hbm>> -> memref<65536xf32, #tpu.memory_space<hbm>>
    tpu.enqueue_dma source(%arg5 : memref<65536xf32, #tpu.memory_space<vmem>>) target(%dma_start3A_271 : memref<65536xf32, #tpu.memory_space<hbm>>) target_semaphore(%arg9 : memref<!tpu.dma_semaphore, #tpu.memory_space<semaphore_mem>>)
    %dma_wait3A = tpu.memref_slice %arg4[%mul3A_180] : memref<33554432xf32, #tpu.memory_space<hbm>> -> memref<65536xf32, #tpu.memory_space<hbm>>
    %dma_wait3A_272 = tpu.memref_slice %arg4[%mul3A_180] : memref<33554432xf32, #tpu.memory_space<hbm>> -> memref<65536xf32, #tpu.memory_space<hbm>>
    tpu.wait_dma2 semaphore(%arg9 : memref<!tpu.dma_semaphore, #tpu.memory_space<semaphore_mem>>) src(%arg5 : memref<65536xf32, #tpu.memory_space<vmem>>) dst(%dma_wait3A_272 : memref<65536xf32, #tpu.memory_space<hbm>>)
    %dma_wait3A_273 = tpu.memref_slice %arg4[%mul3A_185] : memref<33554432xf32, #tpu.memory_space<hbm>> -> memref<65536xf32, #tpu.memory_space<hbm>>
    %dma_wait3A_274 = tpu.memref_slice %arg4[%mul3A_185] : memref<33554432xf32, #tpu.memory_space<hbm>> -> memref<65536xf32, #tpu.memory_space<hbm>>
    tpu.wait_dma2 semaphore(%arg9 : memref<!tpu.dma_semaphore, #tpu.memory_space<semaphore_mem>>) src(%arg5 : memref<65536xf32, #tpu.memory_space<vmem>>) dst(%dma_wait3A_274 : memref<65536xf32, #tpu.memory_space<hbm>>)
    %dma_wait3A_275 = tpu.memref_slice %arg4[%mul3A_191] : memref<33554432xf32, #tpu.memory_space<hbm>> -> memref<65536xf32, #tpu.memory_space<hbm>>
    %dma_wait3A_276 = tpu.memref_slice %arg4[%mul3A_191] : memref<33554432xf32, #tpu.memory_space<hbm>> -> memref<65536xf32, #tpu.memory_space<hbm>>
    tpu.wait_dma2 semaphore(%arg9 : memref<!tpu.dma_semaphore, #tpu.memory_space<semaphore_mem>>) src(%arg5 : memref<65536xf32, #tpu.memory_space<vmem>>) dst(%dma_wait3A_276 : memref<65536xf32, #tpu.memory_space<hbm>>)
    %dma_wait3A_277 = tpu.memref_slice %arg4[%mul3A_197] : memref<33554432xf32, #tpu.memory_space<hbm>> -> memref<65536xf32, #tpu.memory_space<hbm>>
    %dma_wait3A_278 = tpu.memref_slice %arg4[%mul3A_197] : memref<33554432xf32, #tpu.memory_space<hbm>> -> memref<65536xf32, #tpu.memory_space<hbm>>
    tpu.wait_dma2 semaphore(%arg9 : memref<!tpu.dma_semaphore, #tpu.memory_space<semaphore_mem>>) src(%arg5 : memref<65536xf32, #tpu.memory_space<vmem>>) dst(%dma_wait3A_278 : memref<65536xf32, #tpu.memory_space<hbm>>)
    %dma_wait3A_279 = tpu.memref_slice %arg4[%mul3A_203] : memref<33554432xf32, #tpu.memory_space<hbm>> -> memref<65536xf32, #tpu.memory_space<hbm>>
    %dma_wait3A_280 = tpu.memref_slice %arg4[%mul3A_203] : memref<33554432xf32, #tpu.memory_space<hbm>> -> memref<65536xf32, #tpu.memory_space<hbm>>
    tpu.wait_dma2 semaphore(%arg9 : memref<!tpu.dma_semaphore, #tpu.memory_space<semaphore_mem>>) src(%arg5 : memref<65536xf32, #tpu.memory_space<vmem>>) dst(%dma_wait3A_280 : memref<65536xf32, #tpu.memory_space<hbm>>)
    %dma_wait3A_281 = tpu.memref_slice %arg4[%mul3A_209] : memref<33554432xf32, #tpu.memory_space<hbm>> -> memref<65536xf32, #tpu.memory_space<hbm>>
    %dma_wait3A_282 = tpu.memref_slice %arg4[%mul3A_209] : memref<33554432xf32, #tpu.memory_space<hbm>> -> memref<65536xf32, #tpu.memory_space<hbm>>
    tpu.wait_dma2 semaphore(%arg9 : memref<!tpu.dma_semaphore, #tpu.memory_space<semaphore_mem>>) src(%arg5 : memref<65536xf32, #tpu.memory_space<vmem>>) dst(%dma_wait3A_282 : memref<65536xf32, #tpu.memory_space<hbm>>)
    %dma_wait3A_283 = tpu.memref_slice %arg4[%mul3A_215] : memref<33554432xf32, #tpu.memory_space<hbm>> -> memref<65536xf32, #tpu.memory_space<hbm>>
    %dma_wait3A_284 = tpu.memref_slice %arg4[%mul3A_215] : memref<33554432xf32, #tpu.memory_space<hbm>> -> memref<65536xf32, #tpu.memory_space<hbm>>
    tpu.wait_dma2 semaphore(%arg9 : memref<!tpu.dma_semaphore, #tpu.memory_space<semaphore_mem>>) src(%arg5 : memref<65536xf32, #tpu.memory_space<vmem>>) dst(%dma_wait3A_284 : memref<65536xf32, #tpu.memory_space<hbm>>)
    %dma_wait3A_285 = tpu.memref_slice %arg4[%mul3A_221] : memref<33554432xf32, #tpu.memory_space<hbm>> -> memref<65536xf32, #tpu.memory_space<hbm>>
    %dma_wait3A_286 = tpu.memref_slice %arg4[%mul3A_221] : memref<33554432xf32, #tpu.memory_space<hbm>> -> memref<65536xf32, #tpu.memory_space<hbm>>
    tpu.wait_dma2 semaphore(%arg9 : memref<!tpu.dma_semaphore, #tpu.memory_space<semaphore_mem>>) src(%arg5 : memref<65536xf32, #tpu.memory_space<vmem>>) dst(%dma_wait3A_286 : memref<65536xf32, #tpu.memory_space<hbm>>)
    %dma_wait3A_287 = tpu.memref_slice %arg4[%mul3A_227] : memref<33554432xf32, #tpu.memory_space<hbm>> -> memref<65536xf32, #tpu.memory_space<hbm>>
    %dma_wait3A_288 = tpu.memref_slice %arg4[%mul3A_227] : memref<33554432xf32, #tpu.memory_space<hbm>> -> memref<65536xf32, #tpu.memory_space<hbm>>
    tpu.wait_dma2 semaphore(%arg9 : memref<!tpu.dma_semaphore, #tpu.memory_space<semaphore_mem>>) src(%arg5 : memref<65536xf32, #tpu.memory_space<vmem>>) dst(%dma_wait3A_288 : memref<65536xf32, #tpu.memory_space<hbm>>)
    %dma_wait3A_289 = tpu.memref_slice %arg4[%mul3A_233] : memref<33554432xf32, #tpu.memory_space<hbm>> -> memref<65536xf32, #tpu.memory_space<hbm>>
    %dma_wait3A_290 = tpu.memref_slice %arg4[%mul3A_233] : memref<33554432xf32, #tpu.memory_space<hbm>> -> memref<65536xf32, #tpu.memory_space<hbm>>
    tpu.wait_dma2 semaphore(%arg9 : memref<!tpu.dma_semaphore, #tpu.memory_space<semaphore_mem>>) src(%arg5 : memref<65536xf32, #tpu.memory_space<vmem>>) dst(%dma_wait3A_290 : memref<65536xf32, #tpu.memory_space<hbm>>)
    %dma_wait3A_291 = tpu.memref_slice %arg4[%mul3A_239] : memref<33554432xf32, #tpu.memory_space<hbm>> -> memref<65536xf32, #tpu.memory_space<hbm>>
    %dma_wait3A_292 = tpu.memref_slice %arg4[%mul3A_239] : memref<33554432xf32, #tpu.memory_space<hbm>> -> memref<65536xf32, #tpu.memory_space<hbm>>
    tpu.wait_dma2 semaphore(%arg9 : memref<!tpu.dma_semaphore, #tpu.memory_space<semaphore_mem>>) src(%arg5 : memref<65536xf32, #tpu.memory_space<vmem>>) dst(%dma_wait3A_292 : memref<65536xf32, #tpu.memory_space<hbm>>)
    %dma_wait3A_293 = tpu.memref_slice %arg4[%mul3A_245] : memref<33554432xf32, #tpu.memory_space<hbm>> -> memref<65536xf32, #tpu.memory_space<hbm>>
    %dma_wait3A_294 = tpu.memref_slice %arg4[%mul3A_245] : memref<33554432xf32, #tpu.memory_space<hbm>> -> memref<65536xf32, #tpu.memory_space<hbm>>
    tpu.wait_dma2 semaphore(%arg9 : memref<!tpu.dma_semaphore, #tpu.memory_space<semaphore_mem>>) src(%arg5 : memref<65536xf32, #tpu.memory_space<vmem>>) dst(%dma_wait3A_294 : memref<65536xf32, #tpu.memory_space<hbm>>)
    %dma_wait3A_295 = tpu.memref_slice %arg4[%mul3A_251] : memref<33554432xf32, #tpu.memory_space<hbm>> -> memref<65536xf32, #tpu.memory_space<hbm>>
    %dma_wait3A_296 = tpu.memref_slice %arg4[%mul3A_251] : memref<33554432xf32, #tpu.memory_space<hbm>> -> memref<65536xf32, #tpu.memory_space<hbm>>
    tpu.wait_dma2 semaphore(%arg9 : memref<!tpu.dma_semaphore, #tpu.memory_space<semaphore_mem>>) src(%arg5 : memref<65536xf32, #tpu.memory_space<vmem>>) dst(%dma_wait3A_296 : memref<65536xf32, #tpu.memory_space<hbm>>)
    %dma_wait3A_297 = tpu.memref_slice %arg4[%mul3A_257] : memref<33554432xf32, #tpu.memory_space<hbm>> -> memref<65536xf32, #tpu.memory_space<hbm>>
    %dma_wait3A_298 = tpu.memref_slice %arg4[%mul3A_257] : memref<33554432xf32, #tpu.memory_space<hbm>> -> memref<65536xf32, #tpu.memory_space<hbm>>
    tpu.wait_dma2 semaphore(%arg9 : memref<!tpu.dma_semaphore, #tpu.memory_space<semaphore_mem>>) src(%arg5 : memref<65536xf32, #tpu.memory_space<vmem>>) dst(%dma_wait3A_298 : memref<65536xf32, #tpu.memory_space<hbm>>)
    %dma_wait3A_299 = tpu.memref_slice %arg4[%mul3A_263] : memref<33554432xf32, #tpu.memory_space<hbm>> -> memref<65536xf32, #tpu.memory_space<hbm>>
    %dma_wait3A_300 = tpu.memref_slice %arg4[%mul3A_263] : memref<33554432xf32, #tpu.memory_space<hbm>> -> memref<65536xf32, #tpu.memory_space<hbm>>
    tpu.wait_dma2 semaphore(%arg9 : memref<!tpu.dma_semaphore, #tpu.memory_space<semaphore_mem>>) src(%arg5 : memref<65536xf32, #tpu.memory_space<vmem>>) dst(%dma_wait3A_300 : memref<65536xf32, #tpu.memory_space<hbm>>)
    %dma_wait3A_301 = tpu.memref_slice %arg4[%mul3A_269] : memref<33554432xf32, #tpu.memory_space<hbm>> -> memref<65536xf32, #tpu.memory_space<hbm>>
    %dma_wait3A_302 = tpu.memref_slice %arg4[%mul3A_269] : memref<33554432xf32, #tpu.memory_space<hbm>> -> memref<65536xf32, #tpu.memory_space<hbm>>
    tpu.wait_dma2 semaphore(%arg9 : memref<!tpu.dma_semaphore, #tpu.memory_space<semaphore_mem>>) src(%arg5 : memref<65536xf32, #tpu.memory_space<vmem>>) dst(%dma_wait3A_302 : memref<65536xf32, #tpu.memory_space<hbm>>)
    %dma_start3A_303 = arith.constant 0 : i32
    %dma_start3A_304 = tpu.memref_slice %arg4[%dma_start3A_303] : memref<33554432xf32, #tpu.memory_space<hbm>> -> memref<33554432xf32, #tpu.memory_space<hbm>>
    tpu.enqueue_indirect_dma source(%arg8 : memref<128xf32, #tpu.memory_space<vmem>>) target(%dma_start3A_304 : memref<33554432xf32, #tpu.memory_space<hbm>>) offsets(%arg7 : memref<128xi32, #tpu.memory_space<vmem>>) semaphore(%arg10 : memref<!tpu.dma_semaphore, #tpu.memory_space<semaphore_mem>>)
    %dma_wait3A_305 = arith.constant 0 : i32
    %dma_wait3A_306 = tpu.memref_slice %arg4[%dma_wait3A_305] : memref<33554432xf32, #tpu.memory_space<hbm>> -> memref<33554432xf32, #tpu.memory_space<hbm>>
    tpu.wait_indirect_dma semaphore(%arg10 : memref<!tpu.dma_semaphore, #tpu.memory_space<semaphore_mem>>) src(%arg8 : memref<128xf32, #tpu.memory_space<vmem>>) dst(%dma_wait3A_306 : memref<33554432xf32, #tpu.memory_space<hbm>>)
    return
  }
}

module attributes {stable_mosaic.version = 14 : i64} {
  func.func @_vq_body(%arg0: i32, %arg1: memref<256x32xf32, #tpu.memory_space<vmem>>, %arg2: memref<8192x32xf32, #tpu.memory_space<vmem>>, %arg3: memref<256x32xf32, #tpu.memory_space<vmem>>, %arg4: memref<256xi32, #tpu.memory_space<vmem>>, %arg5: memref<1x1xf32, #tpu.memory_space<vmem>>, %arg6: memref<1x1xf32, #tpu.memory_space<vmem>>, %arg7: memref<1x1xf32, #tpu.memory_space<vmem>>, %arg8: memref<3xf32, #tpu.memory_space<smem>>, %arg9: memref<1x8192xf32, #tpu.memory_space<vmem>>, %arg10: memref<1x32xf32, #tpu.memory_space<vmem>>, %arg11: memref<8x8192xf32, #tpu.memory_space<vmem>>, %arg12: memref<8192x32xbf16, #tpu.memory_space<vmem>>) attributes {dimension_semantics = [#tpu.dimension_semantics<arbitrary>], iteration_bounds = array<i64: 16>, scalar_prefetch = 0 : i64, scratch_operands = 5 : i64, tpu.core_type = #tpu.core_type<tc>, window_params = [{transform_indices = @transform_0, window_bounds = array<i64: 256, 32>}, {pipeline_mode = #tpu.pipeline_mode<synchronous>, transform_indices = @transform_1, window_bounds = array<i64: 8192, 32>}, {transform_indices = @transform_2, window_bounds = array<i64: 256, 32>}, {transform_indices = @transform_3, window_bounds = array<i64: 256>}, {pipeline_mode = #tpu.pipeline_mode<synchronous>, transform_indices = @transform_4, window_bounds = array<i64: 1, 1>}, {pipeline_mode = #tpu.pipeline_mode<synchronous>, transform_indices = @transform_5, window_bounds = array<i64: 1, 1>}, {pipeline_mode = #tpu.pipeline_mode<synchronous>, transform_indices = @transform_6, window_bounds = array<i64: 1, 1>}]} {
    %get3A = arith.constant 0 : index
    %get3A_0 = arith.constant 0 : index
    %get3A_1 = vector.load %arg1[%get3A, %get3A_0] : memref<256x32xf32, #tpu.memory_space<vmem>>, vector<256x32xf32>
    %eq3A = arith.constant 0 : i32
    %eq3A_2 = arith.cmpi eq, %arg0, %eq3A : i32
    %convert_element_type3A = arith.extui %eq3A_2 : i1 to i32
    %cond3A = arith.constant 0 : i32
    %cond3A_3 = arith.cmpi ne, %convert_element_type3A, %cond3A : i32
    scf.if %cond3A_3 {
      %get3A_72 = arith.constant 0 : index
      %get3A_73 = arith.constant 0 : index
      %get3A_74 = vector.load %arg2[%get3A_72, %get3A_73] : memref<8192x32xf32, #tpu.memory_space<vmem>>, vector<8192x32xf32>
      %mul3A_75 = arith.mulf %get3A_74, %get3A_74 : vector<8192x32xf32>
      %reduce_sum3A_76 = arith.constant dense<0.000000e+00> : vector<8192xf32>
      %reduce_sum3A_77 = vector.multi_reduction <add>, %mul3A_75, %reduce_sum3A_76 [1] : vector<8192x32xf32> to vector<8192xf32>
      %broadcast_in_dim3A_78 = vector.shape_cast %reduce_sum3A_77 : vector<8192xf32> to vector<1x8192xf32>
      %broadcast_in_dim3A_79 = vector.shape_cast %broadcast_in_dim3A_78 : vector<1x8192xf32> to vector<1x8192xf32>
      %broadcast_in_dim3A_80 = vector.broadcast %broadcast_in_dim3A_79 : vector<1x8192xf32> to vector<8x8192xf32>
      %swap3A_81 = arith.constant 0 : index
      %swap3A_82 = arith.constant 0 : index
      %swap3A_83 = vector.load %arg11[%swap3A_81, %swap3A_82] : memref<8x8192xf32, #tpu.memory_space<vmem>>, vector<8x8192xf32>
      tpu.vector_store %arg11[%swap3A_81, %swap3A_82], %broadcast_in_dim3A_80 {strides = array<i32>} : memref<8x8192xf32, #tpu.memory_space<vmem>>, vector<8x8192xf32>,
      %convert_element_type3A_84 = arith.truncf %get3A_74 : vector<8192x32xf32> to vector<8192x32xbf16>
      %swap3A_85 = arith.constant 0 : index
      %swap3A_86 = arith.constant 0 : index
      %swap3A_87 = vector.load %arg12[%swap3A_85, %swap3A_86] : memref<8192x32xbf16, #tpu.memory_space<vmem>>, vector<8192x32xbf16>
      tpu.vector_store %arg12[%swap3A_85, %swap3A_86], %convert_element_type3A_84 {strides = array<i32>} : memref<8192x32xbf16, #tpu.memory_space<vmem>>, vector<8192x32xbf16>,
    } else {
    }
    %mul3A = arith.mulf %get3A_1, %get3A_1 : vector<256x32xf32>
    %reduce_sum3A = arith.constant dense<0.000000e+00> : vector<256xf32>
    %reduce_sum3A_4 = vector.multi_reduction <add>, %mul3A, %reduce_sum3A [1] : vector<256x32xf32> to vector<256xf32>
    %broadcast_in_dim3A = vector.shape_cast %reduce_sum3A_4 : vector<256xf32> to vector<256x1xf32>
    %convert_element_type3A_5 = arith.truncf %get3A_1 : vector<256x32xf32> to vector<256x32xbf16>
    %get3A_6 = arith.constant 0 : index
    %get3A_7 = arith.constant 0 : index
    %get3A_8 = vector.load %arg12[%get3A_6, %get3A_7] : memref<8192x32xbf16, #tpu.memory_space<vmem>>, vector<8192x32xbf16>
    %dot_general3A = arith.constant dense<0.000000e+00> : vector<256x8192xf32>
    %dot_general3A_9 = tpu.matmul %convert_element_type3A_5, %get3A_8, %dot_general3A {dimension_numbers = #tpu.dot_dimension_numbers<[1], [1], [0], [0], [0, 0, 1, 0], [], []>, transpose_lhs_hint = false} : vector<256x32xbf16>, vector<8192x32xbf16>, vector<256x8192xf32> -> vector<256x8192xf32>
    %reshape3A = vector.shape_cast %dot_general3A_9 : vector<256x8192xf32> to vector<32x8x8192xf32>
    %reshape3A_10 = vector.shape_cast %broadcast_in_dim3A : vector<256x1xf32> to vector<32x8x1xf32>
    %get3A_11 = arith.constant 0 : index
    %get3A_12 = arith.constant 0 : index
    %get3A_13 = vector.load %arg11[%get3A_11, %get3A_12] : memref<8x8192xf32, #tpu.memory_space<vmem>>, vector<8x8192xf32>
    %broadcast_in_dim3A_14 = vector.shape_cast %get3A_13 : vector<8x8192xf32> to vector<1x8x8192xf32>
    %add3A = vector.broadcast %reshape3A_10 : vector<32x8x1xf32> to vector<32x8x8192xf32>
    %add3A_15 = vector.broadcast %broadcast_in_dim3A_14 : vector<1x8x8192xf32> to vector<32x8x8192xf32>
    %add3A_16 = arith.addf %add3A, %add3A_15 : vector<32x8x8192xf32>
    %mul3A_17 = arith.constant 2.000000e+00 : f32
    %mul3A_18 = vector.broadcast %mul3A_17 : f32 to vector<32x8x8192xf32>
    %mul3A_19 = arith.mulf %mul3A_18, %reshape3A : vector<32x8x8192xf32>
    %sub3A = arith.subf %add3A_16, %mul3A_19 : vector<32x8x8192xf32>
    %reshape3A_20 = vector.shape_cast %sub3A : vector<32x8x8192xf32> to vector<256x8192xf32>
    %reduce_min3A = arith.constant dense<0x7F800000> : vector<256xf32>
    %reduce_min3A_21 = vector.multi_reduction <minimumf>, %reshape3A_20, %reduce_min3A [1] : vector<256x8192xf32> to vector<256xf32>
    %broadcast_in_dim3A_22 = vector.shape_cast %reduce_min3A_21 : vector<256xf32> to vector<256x1xf32>
    %iota3A = tpu.iota {dimensions = array<i32: 1>} : vector<256x8192xi32>
    %eq3A_23 = vector.broadcast %broadcast_in_dim3A_22 : vector<256x1xf32> to vector<256x8192xf32>
    %eq3A_24 = arith.cmpf oeq, %reshape3A_20, %eq3A_23 : vector<256x8192xf32>
    %jit3A = arith.constant 8192 : i32
    %broadcast_in_dim3A_25 = vector.broadcast %jit3A : i32 to vector<256x8192xi32>
    %select_n3A = arith.select %eq3A_24, %iota3A, %broadcast_in_dim3A_25 : vector<256x8192xi1>, vector<256x8192xi32>
    %reduce_min3A_26 = arith.constant dense<2147483647> : vector<256xi32>
    %reduce_min3A_27 = vector.multi_reduction <minsi>, %select_n3A, %reduce_min3A_26 [1] : vector<256x8192xi32> to vector<256xi32>
    %swap3A = arith.constant 0 : index
    %swap3A_28 = vector.load %arg4[%swap3A] : memref<256xi32, #tpu.memory_space<vmem>>, vector<256xi32>
    tpu.vector_store %arg4[%swap3A], %reduce_min3A_27 {strides = array<i32>} : memref<256xi32, #tpu.memory_space<vmem>>, vector<256xi32>,
    %broadcast_in_dim3A_29 = vector.shape_cast %reduce_min3A_27 : vector<256xi32> to vector<256x1xi32>
    %eq3A_30 = vector.broadcast %broadcast_in_dim3A_29 : vector<256x1xi32> to vector<256x8192xi32>
    %eq3A_31 = arith.cmpi eq, %iota3A, %eq3A_30 : vector<256x8192xi32>
    %convert_element_type3A_32 = arith.extui %eq3A_31 : vector<256x8192xi1> to vector<256x8192xi32>
    %convert_element_type3A_33 = arith.sitofp %convert_element_type3A_32 : vector<256x8192xi32> to vector<256x8192xf32>
    %convert_element_type3A_34 = arith.truncf %convert_element_type3A_33 : vector<256x8192xf32> to vector<256x8192xbf16>
    %dot_general3A_35 = arith.constant dense<0.000000e+00> : vector<256x32xf32>
    %dot_general3A_36 = tpu.matmul %convert_element_type3A_34, %get3A_8, %dot_general3A_35 {dimension_numbers = #tpu.dot_dimension_numbers<[1], [0], [0], [1], [0, 0, 1, 1], [], []>, transpose_lhs_hint = false} : vector<256x8192xbf16>, vector<8192x32xbf16>, vector<256x32xf32> -> vector<256x32xf32>
    %swap3A_37 = arith.constant 0 : index
    %swap3A_38 = arith.constant 0 : index
    %swap3A_39 = vector.load %arg3[%swap3A_37, %swap3A_38] : memref<256x32xf32, #tpu.memory_space<vmem>>, vector<256x32xf32>
    tpu.vector_store %arg3[%swap3A_37, %swap3A_38], %dot_general3A_36 {strides = array<i32>} : memref<256x32xf32, #tpu.memory_space<vmem>>, vector<256x32xf32>,
    %reduce_sum3A_40 = vector.shape_cast %broadcast_in_dim3A : vector<256x1xf32> to vector<1x256x1xf32>
    %reduce_sum3A_41 = arith.constant dense<0.000000e+00> : vector<1xf32>
    %reduce_sum3A_42 = vector.multi_reduction <add>, %reduce_sum3A_40, %reduce_sum3A_41 [1, 2] : vector<1x256x1xf32> to vector<1xf32>
    %reduce_sum3A_43 = vector.shape_cast %reduce_sum3A_42 : vector<1xf32> to vector<1x1x1xf32>
    %reduce_sum3A_44 = vector.extract %reduce_sum3A_43[0, 0, 0] : f32 from vector<1x1x1xf32>
    %sub3A_45 = arith.subf %dot_general3A_36, %get3A_1 : vector<256x32xf32>
    %mul3A_46 = arith.mulf %sub3A_45, %sub3A_45 : vector<256x32xf32>
    %reduce_sum3A_47 = vector.shape_cast %mul3A_46 : vector<256x32xf32> to vector<1x256x32xf32>
    %reduce_sum3A_48 = arith.constant dense<0.000000e+00> : vector<1xf32>
    %reduce_sum3A_49 = vector.multi_reduction <add>, %reduce_sum3A_47, %reduce_sum3A_48 [1, 2] : vector<1x256x32xf32> to vector<1xf32>
    %reduce_sum3A_50 = vector.shape_cast %reduce_sum3A_49 : vector<1xf32> to vector<1x1x1xf32>
    %reduce_sum3A_51 = vector.extract %reduce_sum3A_50[0, 0, 0] : f32 from vector<1x1x1xf32>
    %reduce_sum3A_52 = arith.constant dense<0.000000e+00> : vector<32xf32>
    %reduce_sum3A_53 = vector.multi_reduction <add>, %get3A_1, %reduce_sum3A_52 [0] : vector<256x32xf32> to vector<32xf32>
    %broadcast_in_dim3A_54 = vector.shape_cast %reduce_sum3A_53 : vector<32xf32> to vector<1x32xf32>
    %reduce_sum3A_55 = arith.constant dense<0.000000e+00> : vector<8192xf32>
    %reduce_sum3A_56 = vector.multi_reduction <add>, %convert_element_type3A_33, %reduce_sum3A_55 [0] : vector<256x8192xf32> to vector<8192xf32>
    %broadcast_in_dim3A_57 = vector.shape_cast %reduce_sum3A_56 : vector<8192xf32> to vector<1x8192xf32>
    %eq3A_58 = arith.constant 0 : i32
    %eq3A_59 = arith.cmpi eq, %arg0, %eq3A_58 : i32
    %convert_element_type3A_60 = arith.extui %eq3A_59 : i1 to i32
    %cond3A_61 = arith.constant 0 : i32
    %cond3A_62 = arith.cmpi ne, %convert_element_type3A_60, %cond3A_61 : i32
    scf.if %cond3A_62 {
      %swap3A_72 = arith.constant 0 : index
      %swap3A_73 = memref.load %arg8[%swap3A_72] : memref<3xf32, #tpu.memory_space<smem>>
      memref.store %reduce_sum3A_44, %arg8[%swap3A_72] : memref<3xf32, #tpu.memory_space<smem>>
      %swap3A_74 = arith.constant 1 : index
      %swap3A_75 = memref.load %arg8[%swap3A_74] : memref<3xf32, #tpu.memory_space<smem>>
      memref.store %reduce_sum3A_51, %arg8[%swap3A_74] : memref<3xf32, #tpu.memory_space<smem>>
      %get3A_76 = arith.constant 0 : index
      %get3A_77 = arith.constant 0 : index
      %get3A_78 = vector.load %arg11[%get3A_76, %get3A_77] : memref<8x8192xf32, #tpu.memory_space<vmem>>, vector<1x8192xf32>
      %reduce_sum3A_79 = vector.shape_cast %get3A_78 : vector<1x8192xf32> to vector<1x1x8192xf32>
      %reduce_sum3A_80 = arith.constant dense<0.000000e+00> : vector<1xf32>
      %reduce_sum3A_81 = vector.multi_reduction <add>, %reduce_sum3A_79, %reduce_sum3A_80 [1, 2] : vector<1x1x8192xf32> to vector<1xf32>
      %reduce_sum3A_82 = vector.shape_cast %reduce_sum3A_81 : vector<1xf32> to vector<1x1x1xf32>
      %reduce_sum3A_83 = vector.extract %reduce_sum3A_82[0, 0, 0] : f32 from vector<1x1x1xf32>
      %swap3A_84 = arith.constant 2 : index
      %swap3A_85 = memref.load %arg8[%swap3A_84] : memref<3xf32, #tpu.memory_space<smem>>
      memref.store %reduce_sum3A_83, %arg8[%swap3A_84] : memref<3xf32, #tpu.memory_space<smem>>
      %swap3A_86 = arith.constant 0 : index
      %swap3A_87 = arith.constant 0 : index
      %swap3A_88 = vector.load %arg9[%swap3A_86, %swap3A_87] : memref<1x8192xf32, #tpu.memory_space<vmem>>, vector<1x8192xf32>
      tpu.vector_store %arg9[%swap3A_86, %swap3A_87], %broadcast_in_dim3A_57 {strides = array<i32>} : memref<1x8192xf32, #tpu.memory_space<vmem>>, vector<1x8192xf32>,
      %swap3A_89 = arith.constant 0 : index
      %swap3A_90 = arith.constant 0 : index
      %swap3A_91 = vector.load %arg10[%swap3A_89, %swap3A_90] : memref<1x32xf32, #tpu.memory_space<vmem>>, vector<1x32xf32>
      tpu.vector_store %arg10[%swap3A_89, %swap3A_90], %broadcast_in_dim3A_54 {strides = array<i32>} : memref<1x32xf32, #tpu.memory_space<vmem>>, vector<1x32xf32>,
    } else {
    }
    %ne3A = arith.constant 0 : i32
    %ne3A_63 = arith.cmpi ne, %arg0, %ne3A : i32
    %convert_element_type3A_64 = arith.extui %ne3A_63 : i1 to i32
    %cond3A_65 = arith.constant 0 : i32
    %cond3A_66 = arith.cmpi ne, %convert_element_type3A_64, %cond3A_65 : i32
    scf.if %cond3A_66 {
      %get3A_72 = arith.constant 0 : index
      %get3A_73 = memref.load %arg8[%get3A_72] : memref<3xf32, #tpu.memory_space<smem>>
      %add3A_74 = arith.addf %get3A_73, %reduce_sum3A_44 : f32
      %swap3A_75 = arith.constant 0 : index
      %swap3A_76 = memref.load %arg8[%swap3A_75] : memref<3xf32, #tpu.memory_space<smem>>
      memref.store %add3A_74, %arg8[%swap3A_75] : memref<3xf32, #tpu.memory_space<smem>>
      %get3A_77 = arith.constant 1 : index
      %get3A_78 = memref.load %arg8[%get3A_77] : memref<3xf32, #tpu.memory_space<smem>>
      %add3A_79 = arith.addf %get3A_78, %reduce_sum3A_51 : f32
      %swap3A_80 = arith.constant 1 : index
      %swap3A_81 = memref.load %arg8[%swap3A_80] : memref<3xf32, #tpu.memory_space<smem>>
      memref.store %add3A_79, %arg8[%swap3A_80] : memref<3xf32, #tpu.memory_space<smem>>
      %get3A_82 = arith.constant 0 : index
      %get3A_83 = arith.constant 0 : index
      %get3A_84 = vector.load %arg9[%get3A_82, %get3A_83] : memref<1x8192xf32, #tpu.memory_space<vmem>>, vector<1x8192xf32>
      %add3A_85 = arith.addf %get3A_84, %broadcast_in_dim3A_57 : vector<1x8192xf32>
      %swap3A_86 = arith.constant 0 : index
      %swap3A_87 = arith.constant 0 : index
      %swap3A_88 = vector.load %arg9[%swap3A_86, %swap3A_87] : memref<1x8192xf32, #tpu.memory_space<vmem>>, vector<1x8192xf32>
      tpu.vector_store %arg9[%swap3A_86, %swap3A_87], %add3A_85 {strides = array<i32>} : memref<1x8192xf32, #tpu.memory_space<vmem>>, vector<1x8192xf32>,
      %get3A_89 = arith.constant 0 : index
      %get3A_90 = arith.constant 0 : index
      %get3A_91 = vector.load %arg10[%get3A_89, %get3A_90] : memref<1x32xf32, #tpu.memory_space<vmem>>, vector<1x32xf32>
      %add3A_92 = arith.addf %get3A_91, %broadcast_in_dim3A_54 : vector<1x32xf32>
      %swap3A_93 = arith.constant 0 : index
      %swap3A_94 = arith.constant 0 : index
      %swap3A_95 = vector.load %arg10[%swap3A_93, %swap3A_94] : memref<1x32xf32, #tpu.memory_space<vmem>>, vector<1x32xf32>
      tpu.vector_store %arg10[%swap3A_93, %swap3A_94], %add3A_92 {strides = array<i32>} : memref<1x32xf32, #tpu.memory_space<vmem>>, vector<1x32xf32>,
    } else {
    }
    %eq3A_67 = arith.constant 15 : i32
    %eq3A_68 = arith.cmpi eq, %arg0, %eq3A_67 : i32
    %convert_element_type3A_69 = arith.extui %eq3A_68 : i1 to i32
    %cond3A_70 = arith.constant 0 : i32
    %cond3A_71 = arith.cmpi ne, %convert_element_type3A_69, %cond3A_70 : i32
    scf.if %cond3A_71 {
      %get3A_72 = arith.constant 0 : index
      %get3A_73 = arith.constant 0 : index
      %get3A_74 = vector.load %arg2[%get3A_72, %get3A_73] : memref<8192x32xf32, #tpu.memory_space<vmem>>, vector<8192x32xf32>
      %reduce_sum3A_75 = arith.constant dense<0.000000e+00> : vector<32xf32>
      %reduce_sum3A_76 = vector.multi_reduction <add>, %get3A_74, %reduce_sum3A_75 [0] : vector<8192x32xf32> to vector<32xf32>
      %broadcast_in_dim3A_77 = vector.shape_cast %reduce_sum3A_76 : vector<32xf32> to vector<1x32xf32>
      %get3A_78 = arith.constant 0 : index
      %get3A_79 = arith.constant 0 : index
      %get3A_80 = vector.load %arg10[%get3A_78, %get3A_79] : memref<1x32xf32, #tpu.memory_space<vmem>>, vector<1x32xf32>
      %mul3A_81 = arith.mulf %get3A_80, %broadcast_in_dim3A_77 : vector<1x32xf32>
      %reduce_sum3A_82 = vector.shape_cast %mul3A_81 : vector<1x32xf32> to vector<1x1x32xf32>
      %reduce_sum3A_83 = arith.constant dense<0.000000e+00> : vector<1xf32>
      %reduce_sum3A_84 = vector.multi_reduction <add>, %reduce_sum3A_82, %reduce_sum3A_83 [1, 2] : vector<1x1x32xf32> to vector<1xf32>
      %reduce_sum3A_85 = vector.shape_cast %reduce_sum3A_84 : vector<1xf32> to vector<1x1x1xf32>
      %reduce_sum3A_86 = vector.extract %reduce_sum3A_85[0, 0, 0] : f32 from vector<1x1x1xf32>
      %get3A_87 = arith.constant 0 : index
      %get3A_88 = memref.load %arg8[%get3A_87] : memref<3xf32, #tpu.memory_space<smem>>
      %mul3A_89 = arith.constant 8.192000e+03 : f32
      %mul3A_90 = arith.mulf %mul3A_89, %get3A_88 : f32
      %get3A_91 = arith.constant 2 : index
      %get3A_92 = memref.load %arg8[%get3A_91] : memref<3xf32, #tpu.memory_space<smem>>
      %mul3A_93 = arith.constant 4.096000e+03 : f32
      %mul3A_94 = arith.mulf %mul3A_93, %get3A_92 : f32
      %add3A_95 = arith.addf %mul3A_90, %mul3A_94 : f32
      %mul3A_96 = arith.constant 2.000000e+00 : f32
      %mul3A_97 = arith.mulf %mul3A_96, %reduce_sum3A_86 : f32
      %sub3A_98 = arith.subf %add3A_95, %mul3A_97 : f32
      %div3A = arith.constant 0x4C000000 : f32
      %div3A_99 = arith.divf %sub3A_98, %div3A : f32
      %broadcast_in_dim3A_100 = vector.broadcast %div3A_99 : f32 to vector<1x1xf32>
      %swap3A_101 = arith.constant 0 : index
      %swap3A_102 = arith.constant 0 : index
      %swap3A_103 = vector.load %arg7[%swap3A_101, %swap3A_102] : memref<1x1xf32, #tpu.memory_space<vmem>>, vector<1x1xf32>
      tpu.vector_store %arg7[%swap3A_101, %swap3A_102], %broadcast_in_dim3A_100 {strides = array<i32>} : memref<1x1xf32, #tpu.memory_space<vmem>>, vector<1x1xf32>,
      %get3A_104 = arith.constant 1 : index
      %get3A_105 = memref.load %arg8[%get3A_104] : memref<3xf32, #tpu.memory_space<smem>>
      %div3A_106 = arith.constant 1.310720e+05 : f32
      %div3A_107 = arith.divf %get3A_105, %div3A_106 : f32
      %mul3A_108 = arith.constant 2.500000e-01 : f32
      %mul3A_109 = arith.mulf %mul3A_108, %div3A_107 : f32
      %add3A_110 = arith.addf %div3A_107, %mul3A_109 : f32
      %broadcast_in_dim3A_111 = vector.broadcast %add3A_110 : f32 to vector<1x1xf32>
      %swap3A_112 = arith.constant 0 : index
      %swap3A_113 = arith.constant 0 : index
      %swap3A_114 = vector.load %arg5[%swap3A_112, %swap3A_113] : memref<1x1xf32, #tpu.memory_space<vmem>>, vector<1x1xf32>
      tpu.vector_store %arg5[%swap3A_112, %swap3A_113], %broadcast_in_dim3A_111 {strides = array<i32>} : memref<1x1xf32, #tpu.memory_space<vmem>>, vector<1x1xf32>,
      %get3A_115 = arith.constant 0 : index
      %get3A_116 = arith.constant 0 : index
      %get3A_117 = vector.load %arg9[%get3A_115, %get3A_116] : memref<1x8192xf32, #tpu.memory_space<vmem>>, vector<1x8192xf32>
      %mul3A_118 = arith.constant 2.44140625E-4 : f32
      %mul3A_119 = vector.broadcast %mul3A_118 : f32 to vector<1x8192xf32>
      %mul3A_120 = arith.mulf %get3A_117, %mul3A_119 : vector<1x8192xf32>
      %add3A_121 = arith.constant 1.000000e-10 : f32
      %add3A_122 = vector.broadcast %add3A_121 : f32 to vector<1x8192xf32>
      %add3A_123 = arith.addf %mul3A_120, %add3A_122 : vector<1x8192xf32>
      %log3A = math.log %add3A_123 : vector<1x8192xf32>
      %mul3A_124 = arith.mulf %mul3A_120, %log3A : vector<1x8192xf32>
      %reduce_sum3A_125 = vector.shape_cast %mul3A_124 : vector<1x8192xf32> to vector<1x1x8192xf32>
      %reduce_sum3A_126 = arith.constant dense<0.000000e+00> : vector<1xf32>
      %reduce_sum3A_127 = vector.multi_reduction <add>, %reduce_sum3A_125, %reduce_sum3A_126 [1, 2] : vector<1x1x8192xf32> to vector<1xf32>
      %reduce_sum3A_128 = vector.shape_cast %reduce_sum3A_127 : vector<1xf32> to vector<1x1x1xf32>
      %reduce_sum3A_129 = vector.extract %reduce_sum3A_128[0, 0, 0] : f32 from vector<1x1x1xf32>
      %neg3A = arith.constant 0.000000e+00 : f32
      %neg3A_130 = arith.subf %neg3A, %reduce_sum3A_129 : f32
      %exp3A = math.exp %neg3A_130 : f32
      %broadcast_in_dim3A_131 = vector.broadcast %exp3A : f32 to vector<1x1xf32>
      %swap3A_132 = arith.constant 0 : index
      %swap3A_133 = arith.constant 0 : index
      %swap3A_134 = vector.load %arg6[%swap3A_132, %swap3A_133] : memref<1x1xf32, #tpu.memory_space<vmem>>, vector<1x1xf32>
      tpu.vector_store %arg6[%swap3A_132, %swap3A_133], %broadcast_in_dim3A_131 {strides = array<i32>} : memref<1x1xf32, #tpu.memory_space<vmem>>, vector<1x1xf32>,
    } else {
    }
    return
  }
  func.func @transform_0(%arg0: i32) -> (i32, i32) {
    %c0_i32 = arith.constant 0 : i32
    %c0_i32_0 = arith.constant 0 : i32
    return %arg0, %c0_i32 : i32, i32
  }
  func.func @transform_1(%arg0: i32) -> (i32, i32) {
    %c0_i32 = arith.constant 0 : i32
    %c0_i32_0 = arith.constant 0 : i32
    %c0_i32_1 = arith.constant 0 : i32
    return %c0_i32, %c0_i32_0 : i32, i32
  }
  func.func @transform_2(%arg0: i32) -> (i32, i32) {
    %c0_i32 = arith.constant 0 : i32
    %c0_i32_0 = arith.constant 0 : i32
    return %arg0, %c0_i32 : i32, i32
  }
  func.func @transform_3(%arg0: i32) -> i32 {
    %c0_i32 = arith.constant 0 : i32
    return %arg0 : i32
  }
  func.func @transform_4(%arg0: i32) -> (i32, i32) {
    %c0_i32 = arith.constant 0 : i32
    %c0_i32_0 = arith.constant 0 : i32
    %c0_i32_1 = arith.constant 0 : i32
    return %c0_i32, %c0_i32_0 : i32, i32
  }
  func.func @transform_5(%arg0: i32) -> (i32, i32) {
    %c0_i32 = arith.constant 0 : i32
    %c0_i32_0 = arith.constant 0 : i32
    %c0_i32_1 = arith.constant 0 : i32
    return %c0_i32, %c0_i32_0 : i32, i32
  }
  func.func @transform_6(%arg0: i32) -> (i32, i32) {
    %c0_i32 = arith.constant 0 : i32
    %c0_i32_0 = arith.constant 0 : i32
    %c0_i32_1 = arith.constant 0 : i32
    return %c0_i32, %c0_i32_0 : i32, i32
  }
}

</mosaic_0001>

<sc_bundles>
// kernel: kernel.4.cloned.1.call-start
scs
__scs_entry_jumppad:
0x0: {  	(pc) =	sbr.rel $0x88, $3  }
0x1: {  	(tag) =	ssettag $0x0;
	lr =	simm.s32 $0x1  }
0x2: {  	[smem:$0x3F9F] =	sst lr;
	_ =	strace $0xD0000000  }
0x3: {  	_ = 	snop  }
0x4: {  	_ = 	snop  }
0x5: {  	_ = 	snop  }
0x6: {  	_ = 	snop  }
0x7: {  	_ = 	snop  }
__scs_overlays_trampoline_lowered:
0x8: {  	[smem:$0x3FAE] =	sst s0  }
0x9: {  	[smem:$0x3FAF] =	sst s1  }
0xa: {  	[smem:$0x3FB0] =	sst s2  }
0xb: {  	[smem:$0x3FB1] =	sst s3  }
0xc: {  	[smem:$0x3FB2] =	sst s4  }
0xd: {  	[smem:$0x3FB3] =	sst s5  }
0xe: {  	[smem:$0x3FB4] =	sst s6  }
0xf: {  	[smem:$0x3FB5] =	sst s7  }
0x10: {  	[smem:$0x3FB6] =	sst s8  }
0x11: {  	[smem:$0x3FB7] =	sst s9;
	s0 =	simm.s32 @!p0 $0x0  }
0x12: {  	s1 =	sld [smem:$0x3F9D];
	s0 =	simm.s32 @p0 $0x1  }
0x13: {  	[smem:$0x3FB8] =	sst s0;
	s0 =	simm.s32 @!p1 $0x0  }
0x14: {  	s2 =	sld [smem:$0x3F9C];
	s0 =	simm.s32 @p1 $0x1  }
0x15: {  	[smem:$0x3FB9] =	sst s0;
	s0 =	simm.s32 @!p2 $0x0  }
0x16: {  	s3 =	sld [smem:$0x3FDB];
	s0 =	simm.s32 @p2 $0x1  }
0x17: {  	s4 =	simm.s32 $0x1BF5;
	[smem:$0x3FBB] =	sst s0  }
0x18: {  	s0 =	sld [smem:$0x3F9E];
	_ =	swait.ge [sflag:s4], $0x0  }
0x19: {  	s7 =	sld [smem:$0x3F9F]  }
0x1a: {  	s8 =	sadd.s32 $0xFFFFE003, lr  }
0x1b: {  	s9 =	sadd.s32 $0xFFFFFEF7, lr;
	s5 =	simm.s32 $0xFFFFFFFF;
	p2 =	slt.u32 s8, $0xFFFFF086  }
0x1c: {  	p1 =	slt.u32 s9, $0xF7A;
	s5 =	simm.s32 @!p2 $0x0  }
0x1d: {  	s5 =	simm.s32 @p1 $0x1;
	p0 =	seq.s32 s7, s2  }
0x1e: {  	s7 =	smul.u32 @!p0 $0xF7A, s2;
	p2 =	seq.s32 @!p0 s5, $0x0  }
0x1f: {  	s9 =	smul.u32 $0xF7A, s1;
	s8 =	simm.s32 @!p0 $0x1BF5;
	p2 =	por !p2, p0  }
0x20: {  	[sflag:s8] =	ssyncset.s32 @!p0 $0xFFFFF086;
	s6 =	sadd.s32 @!p0 s3, s7;
	s7 =	simm.s32 @!p0 $0x108  }
0x21: {  	s3 =	sadd.s32 s3, s9;
	s6 =	sadd.s32 @!p0 $0x88, s6;
	s7 =	simm.s32 @p2 $0x1082  }
0x22: {  	[simem:s7], [sflag:s8] =	dma.local @!p0 [hbm:s6], $0xF7A  }
0x23: {  	s9 =	sor.u32 $0xD0000000, s2;
	s6 =	simm.s32 $0x108;
	_ =	swait.ge @!p0 [sflag:s8], $0x0  }
0x24: {  	s3 =	sadd.s32 $0x88, s3;
	s6 =	simm.s32 @!p1 $0x1082;
	[sflag:s4] =	ssyncset.s32 $0xFFFFF086  }
0x25: {  	[simem:s6], [sflag:s4] =	dma.local [hbm:s3], $0xF7A  }
0x26: {  	[smem:$0x3F9F] =	sst s1;
	(tag) =	ssettag s2;
	_ =	strace s9  }
0x27: {  	s1 =	sld [smem:$0x3FAF]  }
0x28: {  	s2 =	sld [smem:$0x3FB0]  }
0x29: {  	s4 =	sld [smem:$0x3FB2]  }
0x2a: {  	p0 =	seq.s32 s5, $0x0;
	s5 =	sld [smem:$0x3FB3]  }
0x2b: {  	s6 =	sld [smem:$0x3FB4]  }
0x2c: {  	s7 =	sld [smem:$0x3FB5]  }
0x2d: {  	s3 =	simm.s32 $0x108;
	s8 =	sld [smem:$0x3FB6]  }
0x2e: {  	s3 =	simm.s32 @!p0 $0x1082;
	s9 =	sld [smem:$0x3FB7]  }
0x2f: {  	lr =	sadd.s32 s0, s3;
	s0 =	sld [smem:$0x3FAE]  }
0x30: {  	s3 =	sld [smem:$0x3FB1]  }
0x31: {  	[smem:$0x3FBA] =	sst s10  }
0x32: {  	s10 =	sld [smem:$0x3FB8];
	_ =	sdelay $0x3  }
0x33: {  	p0 =	seq.s32 s10, $0x1;
	s10 =	sld [smem:$0x3FBA];
	_ =	sdelay $0x3  }
0x34: {  	[smem:$0x3FBA] =	sst s10  }
0x35: {  	s10 =	sld [smem:$0x3FB9];
	_ =	sdelay $0x3  }
0x36: {  	p1 =	seq.s32 s10, $0x1;
	s10 =	sld [smem:$0x3FBA];
	_ =	sdelay $0x3  }
0x37: {  	[smem:$0x3FBA] =	sst s10  }
0x38: {  	s10 =	sld [smem:$0x3FBB]  }
0x39: {  	_ = 	snop;
	(pc) =	sbr.ind lr, $3  }
0x3a: {  	_ = 	snop  }
0x3b: {  	_ = 	snop  }
0x3c: {  	p2 =	seq.s32 s10, $0x1;
	s10 =	sld [smem:$0x3FBA]  }
0x3d: {  	_ =	shalt  }
0x3e: {  	_ =	shalt  }
0x3f: {  	_ =	shalt  }
0x40: {  	_ =	shalt  }
0x41: {  	_ =	shalt  }
0x42: {  	_ =	shalt  }
0x43: {  	_ =	shalt  }
0x44: {  	_ =	shalt  }
0x45: {  	_ =	shalt  }
0x46: {  	_ =	shalt  }
0x47: {  	_ =	shalt  }
0x48: {  	_ =	shalt  }
0x49: {  	_ =	shalt  }
0x4a: {  	_ =	shalt  }
0x4b: {  	_ =	shalt  }
0x4c: {  	_ =	shalt  }
0x4d: {  	_ =	shalt  }
0x4e: {  	_ =	shalt  }
0x4f: {  	_ =	shalt  }
0x50: {  	_ =	shalt  }
0x51: {  	_ =	shalt  }
0x52: {  	_ =	shalt  }
0x53: {  	_ =	shalt  }
0x54: {  	_ =	shalt  }
0x55: {  	_ =	shalt  }
0x56: {  	_ =	shalt  }
0x57: {  	_ =	shalt  }
0x58: {  	_ =	shalt  }
0x59: {  	_ =	shalt  }
0x5a: {  	_ =	shalt  }
0x5b: {  	_ =	shalt  }
0x5c: {  	_ =	shalt  }
0x5d: {  	_ =	shalt  }
0x5e: {  	_ =	shalt  }
0x5f: {  	_ =	shalt  }
0x60: {  	_ =	shalt  }
0x61: {  	_ =	shalt  }
0x62: {  	_ =	shalt  }
0x63: {  	_ =	shalt  }
0x64: {  	_ =	shalt  }
0x65: {  	_ =	shalt  }
0x66: {  	_ =	shalt  }
0x67: {  	_ =	shalt  }
0x68: {  	_ =	shalt  }
0x69: {  	_ =	shalt  }
0x6a: {  	_ =	shalt  }
0x6b: {  	_ =	shalt  }
0x6c: {  	_ =	shalt  }
0x6d: {  	_ =	shalt  }
0x6e: {  	_ =	shalt  }
0x6f: {  	_ =	shalt  }
0x70: {  	_ =	shalt  }
0x71: {  	_ =	shalt  }
0x72: {  	_ =	shalt  }
0x73: {  	_ =	shalt  }
0x74: {  	_ =	shalt  }
0x75: {  	_ =	shalt  }
0x76: {  	_ =	shalt  }
0x77: {  	_ =	shalt  }
0x78: {  	_ =	shalt  }
0x79: {  	_ =	shalt  }
0x7a: {  	_ =	shalt  }
0x7b: {  	_ =	shalt  }
0x7c: {  	_ =	shalt  }
0x7d: {  	_ =	shalt  }
0x7e: {  	_ =	shalt  }
0x7f: {  	_ =	shalt  }
0x80: {  	_ =	shalt  }
0x81: {  	_ =	shalt  }
0x82: {  	_ =	shalt  }
0x83: {  	_ =	shalt  }
0x84: {  	_ =	shalt  }
0x85: {  	_ =	shalt  }
0x86: {  	_ =	shalt  }
0x87: {  	_ =	shalt  }
.Lfunc_end0:
.L_simem_size_0:
called_computation_lowered:
.L_overlay_start_0:
0x88: {  	s2 =	sld [smem:$0x3FD9]  }
0x89: {  	s3 =	sld [smem:$0x3FFE];
	_ =	sdelay $0x1  }
0x8a: {  	s1 =	srdreg.scid  }
0x8b: {  	s0 =	sand.u32 $0x1, s1  }
0x8c: {  	s14 =	sshll.u32 s0, $0xA;
	s2 =	sadd.s32 s3, s2  }
0x8d: {  	s2 =	sadd.s32 s2, s14  }
0x8e: {  	[smem:$0x3FC6] =	sst s2  }
0x8f: {  	_ = 	snop  }
0x90: {  	s2 =	sld [smem:$0x3FD0];
	_ =	sdelay $0x2  }
0x91: {  	s15 =	simm.s32 $0xA;
	s4 =	simm.s32 $0x10  }
0x92: {  	[smem:s4], [sflag:s15] =	dma.local [hbm:s2], $0x1  }
0x93: {  	_ =	swait.eq [sflag:s15], $0x1  }
0x94: {  	[sflag:s15] =	ssyncset.done $0x0  }
0x95: {  	[sflag:s15] =	ssyncadd.s32 $0xFFFFFFFF  }
0x96: {  	s16 =	sld [smem:$0x14];
	(tm) =	ssettm $0x1  }
0x97: {  	s17 =	sld [smem:$0x3FFB];
	_ =	sdelay $0x3  }
0x98: {  	_ =	strace s17  }
0x99: {  	s3 =	sld [smem:$0x3FFC];
	_ =	sdelay $0x3  }
0x9a: {  	_ =	strace s3  }
0x9b: {  	s3 =	sld [smem:$0x3FFD];
	_ =	sdelay $0x3  }
0x9c: {  	_ =	strace s3  }
0x9d: {  	_ =	strace $0x8FFFFFFF  }
0x9e: {  	s18 =	sld [smem:$0x3FDB];
	_ =	sdelay $0x1  }
0x9f: {  	s19 =	simm.s32 $_scs_section_size  }
0xa0: {  	s5 =	simm.s32 $_size__tile_overlayer_lowered;
	s6 =	simm.s32 $_tile_overlayer_lowered  }
0xa1: {  	s22 =	simm.s32 $0x1BFF;
	s21 =	sshll.u32 s6, $0x1;
	s3 =	sadd.s32 s19, s18  }
0xa2: {  	s7 =	simm.s32 $0x0;
	s20 =	sshll.u32 s5, $0x1;
	s5 =	sadd.s32 s21, s3  }
0xa3: {  	[timem:s7], [sflag:s22] =	dma.local [hbm:s5], s20  }
0xa4: {  	_ =	swait.ge [sflag:s22], s20  }
0xa5: {  	s4 =	ssub.s32 $0x0, s20;
	[sflag:s22] =	ssyncset.done $0x0  }
0xa6: {  	[sflag:s22] =	ssyncadd.s32 s4;
	_ =	sdelay $0x1  }
0xa7: {  	s23 =	simm.s32 $0x1B8B  }
0xa8: {  	_ =	swait.ge [sflag:s23], $0x1  }
0xa9: {  	[sflag:s23] =	ssyncset.done $0x0  }
0xaa: {  	s25 =	simm.s32 $0x1B8E;
	s24 =	sld [smem:$0x3FFE];
	[sflag:s23] =	ssyncadd.s32 $0xFFFFFFFF  }
0xab: {  	s26 =	simm.s32 $execute0_lowered;
	[smem:$0x3FD2] =	sst s25  }
0xac: {  	s5 =	sshll.u32 s26, $0x1;
	_ =	strace $0x80000046;
	[dreg:$0x1] =	wrdreg $0xFFFFFFFF  }
0xad: {  	s28 =	simm.s32 $_size_execute0_lowered;
	s3 =	sadd.s32 s3, s5;
	[dreg:$0x0] =	wrdreg $0x0  }
0xae: {  	s5 =	sshll.u32 s28, $0x1;
	[dreg:$0x2] =	wrdreg s3  }
0xaf: {  	[dreg:$0x3] =	wrdreg s5  }
0xb0: {  	[dreg:$0x4] =	wrdreg $0xC0  }
0xb1: {  	_ =	task [dreg:s7], $0x5FFFF  }
0xb2: {  	[dreg:$0x1] =	wrdreg $0xFFFFFFFF  }
0xb3: {  	[dreg:$0x0] =	wrdreg $0x60  }
0xb4: {  	[dreg:$0x2] =	wrdreg s24  }
0xb5: {  	[dreg:$0x3] =	wrdreg s16  }
0xb6: {  	[dreg:$0x4] =	wrdreg $0x9  }
0xb7: {  	_ =	task.clear_ibuf [dreg:s7], $0x5FFFF;
	_ =	strace $0x90000046  }
0xb8: {  	s29 =	simm.s32 $0x9;
	_ =	strace $0x80000048  }
0xb9: {  	_ =	swait.ge [sflag:s29], $0x1  }
0xba: {  	[sflag:s29] =	ssyncadd.s32 $0xFFFFFFFF  }
0xbb: {  	_ =	strace $0x90000048  }
0xbc: {  	_ =	sfence  }
0xbd: {  	s30 =	sld [smem:$0x0];
	_ =	sdelay $0x2  }
0xbe: {  	s31 =	sshll.u32 s1, $0xD;
	s1 =	sshrl.u32 s1, $0x2  }
0xbf: {  	s3 =	sand.u32 $0x4000, s31;
	s1 =	sadd.s32 s1, s30  }
0xc0: {  	s0 =	sor.u32 s3, s0;
	s1 =	sshll.u32 s1, $0x11  }
0xc1: {  	s0 =	sor.u32 s1, s0  }
0xc2: {  	s0 =	sadd.s32 $0x8F2B, s0  }
0xc3: {  	[sflag:s0] =	ssyncadd.remote.s32 $0x1  }
0xc4: {  	_ =	sfence.sel $0xFFFF  }
0xc5: {  	[dreg:$0x0] =	wrdreg $0xFFFFFFFF;
	(pc) =	sbr.abs _section_cstart, $3  }
0xc6: {  	[dreg:$0x1] =	wrdreg $0xFFFFFFFF  }
0xc7: {  	_ =	task.clear_ibuf [dreg:s7], $0x2FFFF;
	_ =	strace $0x9FFFFFFF  }
0xc8: {  	(tm) =	ssettm $0x7FFFFFFF  }
0xc9: {  	_ =	shalt  }
tec
execute0_lowered:
.L_overlay_start_1:
0x0: {  	(tag) =	ssettag $0x1  }
0x1: {  	s7 =	rddreg [dreg:$0x0]  }
0x2: {  	s5 =	rddreg [dreg:$0x1]  }
0x3: {  	s0 =	rddreg [dreg:$0x2]  }
0x4: {  	s2 =	simm.s32 $0x0;
	s4 =	srdreg.scid;
	s1 =	stileid.u32  }
0x5: {  	[smem:$0x7FF] =	sst s2;
	s3 =	sadd.s32 $0xA00, s7;
	s25 =	sand.u32 $0x1, s4  }
0x6: {  	s6 =	sshll.u32 s1, $0x1;
	s4 =	simm.s32 $0x3;
	_ =	strace $0x80000047  }
0x7: {  	[tilespmem:s2], [sflag:$0x3] =	stream.linear.gather [hbm4b:s3+s2], $0x10000, $0x38;
	[tilespmem:$0x10180] =	vst v63  }
0x8: {  	s8 =	sor.u32 s25, s6;
	_ =	swait.ge [sflag:s4], $0x10000  }
0x9: {  	s6 =	sshll.u32 s8, $0x4;
	[sflag:s4] =	ssyncset.done $0x0  }
0xa: {  	s5 =	sadd.s32 s5, s6;
	s6 =	simm.s32 $0x10000;
	[sflag:s4] =	ssyncadd.s32 $0xFFFF0000  }
0xb: {  	[tilespmem:s6], [sflag:$0x3] =	stream.linear.gather [hbm4b:s5+s2], $0x80, $0x38;
	[tilespmem:$0x10180] =	vst v63  }
0xc: {  	_ =	swait.ge [sflag:s4], $0x80  }
0xd: {  	[sflag:s4] =	ssyncset.done $0x0  }
0xe: {  	v0 =	vimm.f32 $1.000000000e+00;
	[sflag:s4] =	ssyncadd.s32 $0xFFFFFF80  }
0xf: {  	[tilespmem:$0x10170] =	vst v0  }
0x10: {  	s9 =	sshll.u32 s8, $0x7;
	[tilespmem:$0x10100] =	vst v0  }
0x11: {  	v2 =	vlaneseq.u32;
	v1 =	vmov s9;
	v4 =	vld [tilespmem:$0x10030];
	[tilespmem:$0x10110] =	vst v0  }
0x12: {  	v8 =	vmul.u32 $0x2000, v2;
	s12 =	sor.u32 $0x20, s9;
	s14 =	sor.u32 $0x30, s9;
	s16 =	sor.u32 $0x40, s9;
	v7 =	vshll.u32 v1, $0xD;
	v5 =	vld [tilespmem:$0x10060];
	[tilespmem:$0x10120] =	vst v0  }
0x13: {  	s20 =	sor.u32 $0x60, s9;
	s21 =	sor.u32 $0x70, s9;
	v6 =	vmov s12;
	v1 =	vmov s14;
	v2 =	vmov s16;
	v9 =	vld [tilespmem:$0x10040];
	[tilespmem:$0x10130] =	vst v0  }
0x14: {  	s18 =	sor.u32 $0x50, s9;
	v3 =	vmov s20;
	v12 =	vmov s21;
	v1 =	vshll.u32 v1, $0xD;
	v10 =	vld [tilespmem:$0x10070];
	[tilespmem:$0x10140] =	vst v0  }
0x15: {  	v14 =	vmov s18;
	v3 =	vshll.u32 v3, $0xD;
	v1 =	vor.u32 v8, v1;
	v11 =	vld [tilespmem:$0x10050];
	[tilespmem:$0x10150] =	vst v0  }
0x16: {  	v2 =	vshll.u32 v2, $0xD;
	v3 =	vor.u32 v8, v3;
	v13 =	vld [tilespmem:$0x10020];
	[tilespmem:$0x10160] =	vst v0;
	v4 =	vadd.s32 v1, v4  }
0x17: {  	v12 =	vshll.u32 v12, $0xD;
	v2 =	vor.u32 v8, v2;
	v15 =	vld [tilespmem:$0x10000];
	v5 =	vadd.s32 v3, v5;
	[tilespmem:$0x100B0] =	vst v4  }
0x18: {  	v14 =	vshll.u32 v14, $0xD;
	v63 =	vld [tilespmem:$0x10010];
	v9 =	vadd.s32 v2, v9;
	v4 =	vor.u32 v8, v12;
	[tilespmem:$0x100E0] =	vst v5  }
0x19: {  	s10 =	sor.u32 $0x10, s9;
	v6 =	vshll.u32 v6, $0xD;
	v5 =	vor.u32 v8, v14;
	[tilespmem:$0x100C0] =	vst v9;
	v10 =	vadd.s32 v4, v10  }
0x1a: {  	v6 =	vor.u32 v8, v6;
	v9 =	vmov s10;
	v11 =	vadd.s32 v5, v11;
	[tilespmem:$0x100F0] =	vst v10  }
0x1b: {  	v7 =	vor.u32 v8, v7;
	v9 =	vshll.u32 v9, $0xD;
	v10 =	vadd.s32 v6, v13;
	[tilespmem:$0x100D0] =	vst v11  }
0x1c: {  	v8 =	vor.u32 v8, v9;
	v9 =	vadd.s32 v7, v15;
	[tilespmem:$0x100A0] =	vst v10  }
0x1d: {  	s7 =	sadd.s32 $0x2A00, s7;
	s8 =	sshll.u32 s8, $0x11;
	v10 =	vadd.s32 v8, v63;
	[tilespmem:$0x10080] =	vst v9  }
0x1e: {  	s8 =	sadd.s32 s7, s8;
	[tilespmem:$0x10090] =	vst v10  }
0x1f: {  	[hbm4b:s8+s2] =	stream.linear.scatter [tilespmem:s2], [sflag:$0x1], $0x10000, $0x38;
	[tilespmem:$0x10180] =	vst v63  }
0x20: {  	s9 =	sadd.s32 $0x2000, s8;
	s10 =	sshll.u32 s10, $0xA  }
0x21: {  	[hbm4b:s9+s2] =	stream.linear.scatter [tilespmem:s2], [sflag:$0x1], $0x10000, $0x38;
	[tilespmem:$0x10180] =	vst v63  }
0x22: {  	s10 =	sadd.s32 s7, s10  }
0x23: {  	[hbm4b:s10+s2] =	stream.linear.scatter [tilespmem:s2], [sflag:$0x1], $0x10000, $0x38;
	[tilespmem:$0x10180] =	vst v63  }
0x24: {  	s11 =	sadd.s32 $0x6000, s8;
	s12 =	sshll.u32 s12, $0xA  }
0x25: {  	[hbm4b:s11+s2] =	stream.linear.scatter [tilespmem:s2], [sflag:$0x1], $0x10000, $0x38;
	[tilespmem:$0x10180] =	vst v63  }
0x26: {  	s12 =	sadd.s32 s7, s12  }
0x27: {  	[hbm4b:s12+s2] =	stream.linear.scatter [tilespmem:s2], [sflag:$0x1], $0x10000, $0x38;
	[tilespmem:$0x10180] =	vst v63  }
0x28: {  	s13 =	sadd.s32 $0xA000, s8;
	s14 =	sshll.u32 s14, $0xA  }
0x29: {  	[hbm4b:s13+s2] =	stream.linear.scatter [tilespmem:s2], [sflag:$0x1], $0x10000, $0x38;
	[tilespmem:$0x10180] =	vst v63  }
0x2a: {  	s14 =	sadd.s32 s7, s14  }
0x2b: {  	[hbm4b:s14+s2] =	stream.linear.scatter [tilespmem:s2], [sflag:$0x1], $0x10000, $0x38;
	[tilespmem:$0x10180] =	vst v63  }
0x2c: {  	s15 =	sadd.s32 $0xE000, s8;
	s16 =	sshll.u32 s16, $0xA  }
0x2d: {  	[hbm4b:s15+s2] =	stream.linear.scatter [tilespmem:s2], [sflag:$0x1], $0x10000, $0x38;
	[tilespmem:$0x10180] =	vst v63  }
0x2e: {  	s16 =	sadd.s32 s7, s16  }
0x2f: {  	[hbm4b:s16+s2] =	stream.linear.scatter [tilespmem:s2], [sflag:$0x1], $0x10000, $0x38;
	[tilespmem:$0x10180] =	vst v63  }
0x30: {  	s17 =	sadd.s32 $0x12000, s8;
	s18 =	sshll.u32 s18, $0xA  }
0x31: {  	[hbm4b:s17+s2] =	stream.linear.scatter [tilespmem:s2], [sflag:$0x1], $0x10000, $0x38;
	[tilespmem:$0x10180] =	vst v63  }
0x32: {  	s18 =	sadd.s32 s7, s18  }
0x33: {  	[hbm4b:s18+s2] =	stream.linear.scatter [tilespmem:s2], [sflag:$0x1], $0x10000, $0x38;
	[tilespmem:$0x10180] =	vst v63  }
0x34: {  	s19 =	sadd.s32 $0x16000, s8;
	s20 =	sshll.u32 s20, $0xA  }
0x35: {  	[hbm4b:s19+s2] =	stream.linear.scatter [tilespmem:s2], [sflag:$0x1], $0x10000, $0x38;
	[tilespmem:$0x10180] =	vst v63  }
0x36: {  	s20 =	sadd.s32 s7, s20  }
0x37: {  	[hbm4b:s20+s2] =	stream.linear.scatter [tilespmem:s2], [sflag:$0x1], $0x10000, $0x38;
	[tilespmem:$0x10180] =	vst v63  }
0x38: {  	s22 =	sadd.s32 $0x1A000, s8;
	s21 =	sshll.u32 s21, $0xA  }
0x39: {  	[hbm4b:s22+s2] =	stream.linear.scatter [tilespmem:s2], [sflag:$0x1], $0x10000, $0x38;
	[tilespmem:$0x10180] =	vst v63  }
0x3a: {  	s23 =	sadd.s32 s7, s21  }
0x3b: {  	[hbm4b:s23+s2] =	stream.linear.scatter [tilespmem:s2], [sflag:$0x1], $0x10000, $0x38;
	[tilespmem:$0x10180] =	vst v63  }
0x3c: {  	s24 =	sadd.s32 $0x1E000, s8;
	s21 =	simm.s32 $0x1  }
0x3d: {  	[hbm4b:s24+s2] =	stream.linear.scatter [tilespmem:s2], [sflag:$0x1], $0x10000, $0x38;
	[tilespmem:$0x10180] =	vst v63  }
0x3e: {  	_ =	swait.ge [sflag:s21], $0x10000  }
0x3f: {  	[sflag:s21] =	ssyncset.done $0x0  }
0x40: {  	[sflag:s21] =	ssyncadd.s32 $0xFFFF0000  }
0x41: {  	_ =	swait.ge [sflag:s21], $0x10000  }
0x42: {  	[sflag:s21] =	ssyncset.done $0x0  }
0x43: {  	[sflag:s21] =	ssyncadd.s32 $0xFFFF0000  }
0x44: {  	_ =	swait.ge [sflag:s21], $0x10000  }
0x45: {  	[sflag:s21] =	ssyncset.done $0x0  }
0x46: {  	[sflag:s21] =	ssyncadd.s32 $0xFFFF0000  }
0x47: {  	_ =	swait.ge [sflag:s21], $0x10000  }
0x48: {  	[sflag:s21] =	ssyncset.done $0x0  }
0x49: {  	[sflag:s21] =	ssyncadd.s32 $0xFFFF0000  }
0x4a: {  	_ =	swait.ge [sflag:s21], $0x10000  }
0x4b: {  	[sflag:s21] =	ssyncset.done $0x0  }
0x4c: {  	[sflag:s21] =	ssyncadd.s32 $0xFFFF0000  }
0x4d: {  	_ =	swait.ge [sflag:s21], $0x10000  }
0x4e: {  	[sflag:s21] =	ssyncset.done $0x0  }
0x4f: {  	[sflag:s21] =	ssyncadd.s32 $0xFFFF0000  }
0x50: {  	_ =	swait.ge [sflag:s21], $0x10000  }
0x51: {  	[sflag:s21] =	ssyncset.done $0x0  }
0x52: {  	[sflag:s21] =	ssyncadd.s32 $0xFFFF0000  }
0x53: {  	_ =	swait.ge [sflag:s21], $0x10000  }
0x54: {  	[sflag:s21] =	ssyncset.done $0x0  }
0x55: {  	[sflag:s21] =	ssyncadd.s32 $0xFFFF0000  }
0x56: {  	_ =	swait.ge [sflag:s21], $0x10000  }
0x57: {  	[sflag:s21] =	ssyncset.done $0x0  }
0x58: {  	[sflag:s21] =	ssyncadd.s32 $0xFFFF0000  }
0x59: {  	_ =	swait.ge [sflag:s21], $0x10000  }
0x5a: {  	[sflag:s21] =	ssyncset.done $0x0  }
0x5b: {  	[sflag:s21] =	ssyncadd.s32 $0xFFFF0000  }
0x5c: {  	_ =	swait.ge [sflag:s21], $0x10000  }
0x5d: {  	[sflag:s21] =	ssyncset.done $0x0  }
0x5e: {  	s25 =	ssub.s32 $0x2, s25;
	[sflag:s21] =	ssyncadd.s32 $0xFFFF0000  }
0x5f: {  	s26 =	sshrl.u32 s25, $0x1;
	_ =	swait.ge [sflag:s21], $0x10000  }
0x60: {  	s25 =	ssub.s32 s25, s26;
	[sflag:s21] =	ssyncset.done $0x0  }
0x61: {  	s25 =	smax.u32 s25, $0x1;
	[sflag:s21] =	ssyncadd.s32 $0xFFFF0000  }
0x62: {  	p0 =	sne.s32 s25, $0x1;
	_ =	swait.ge [sflag:s21], $0x10000  }
.Ltmp0:
0x63: {  	[sflag:s21] =	ssyncset.done $0x0;
	(pc) =	sbr.rel @!p0 .LBB2_2-.Ltmp0, $4  }
0x64: {  	[sflag:s21] =	ssyncadd.s32 $0xFFFF0000  }
0x65: {  	s28 =	simm.s32 $0x10080;
	_ =	swait.ge [sflag:s21], $0x10000  }
0x66: {  	s29 =	simm.s32 $0x10100;
	s26 =	simm.s32 $0x2;
	[sflag:s21] =	ssyncset.done $0x0  }
0x67: {  	s30 =	sadd.s32 $0xFFFFFFFF, s25;
	s25 =	simm.s32 $0x80;
	[sflag:s21] =	ssyncadd.s32 $0xFFFF0000  }
.LBB2_1:
0x68: {  	p0 =	sne.s32 s30, $0x1;
	s30 =	sadd.s32 $0xFFFFFFFF, s30;
	_ =	swait.ge [sflag:s21], $0x10000  }
0x69: {  	[sflag:s21] =	ssyncset.done $0x0  }
0x6a: {  	[sflag:s21] =	ssyncadd.s32 $0xFFFF0000  }
0x6b: {  	_ =	swait.ge [sflag:s21], $0x10000  }
0x6c: {  	[sflag:s21] =	ssyncset.done $0x0  }
0x6d: {  	[sflag:s21] =	ssyncadd.s32 $0xFFFF0000  }
0x6e: {  	[hbm4b:s7+s25] =	stream.indirect.scatter [tilespmem:s29], [sflag:$0x2], $0x1, s28, s25, $0xb8;
	[tilespmem:$0x10180] =	vst v63  }
0x6f: {  	_ =	swait.ge [sflag:s26], $0x80  }
0x70: {  	[sflag:s26] =	ssyncset.done $0x0  }
0x71: {  	[sflag:s26] =	ssyncadd.s32 $0xFFFFFF80  }
0x72: {  	[tilespmem:s2], [sflag:$0x3] =	stream.linear.gather [hbm4b:s3+s2], $0x10000, $0x38;
	[tilespmem:$0x10180] =	vst v63  }
0x73: {  	_ =	swait.ge [sflag:s4], $0x10000  }
0x74: {  	[sflag:s4] =	ssyncset.done $0x0  }
0x75: {  	[sflag:s4] =	ssyncadd.s32 $0xFFFF0000  }
0x76: {  	[tilespmem:s6], [sflag:$0x3] =	stream.linear.gather [hbm4b:s5+s2], $0x80, $0x38;
	[tilespmem:$0x10180] =	vst v63  }
0x77: {  	_ =	swait.ge [sflag:s4], $0x80  }
0x78: {  	[sflag:s4] =	ssyncset.done $0x0  }
0x79: {  	[sflag:s4] =	ssyncadd.s32 $0xFFFFFF80  }
0x7a: {  	v9 =	vld [tilespmem:$0x10070];
	[tilespmem:$0x10170] =	vst v0  }
0x7b: {  	[tilespmem:$0x10100] =	vst v0;
	v10 =	vld [tilespmem:$0x10030]  }
0x7c: {  	[tilespmem:$0x10110] =	vst v0;
	v11 =	vld [tilespmem:$0x10060]  }
0x7d: {  	[tilespmem:$0x10120] =	vst v0;
	v12 =	vld [tilespmem:$0x10040]  }
0x7e: {  	[tilespmem:$0x10130] =	vst v0;
	v13 =	vld [tilespmem:$0x10050]  }
0x7f: {  	v14 =	vld [tilespmem:$0x10020];
	[tilespmem:$0x10140] =	vst v0;
	v9 =	vadd.s32 v4, v9  }
0x80: {  	v15 =	vld [tilespmem:$0x10010];
	v10 =	vadd.s32 v1, v10;
	[tilespmem:$0x10150] =	vst v0  }
0x81: {  	v16 =	vld [tilespmem:$0x10000];
	v11 =	vadd.s32 v3, v11;
	[tilespmem:$0x10160] =	vst v0  }
0x82: {  	[tilespmem:$0x100B0] =	vst v10;
	v10 =	vadd.s32 v2, v12  }
0x83: {  	v12 =	vadd.s32 v5, v13;
	[tilespmem:$0x100E0] =	vst v11  }
0x84: {  	v11 =	vadd.s32 v6, v14;
	[tilespmem:$0x100C0] =	vst v10  }
0x85: {  	v10 =	vadd.s32 v8, v15;
	[tilespmem:$0x100F0] =	vst v9  }
0x86: {  	v9 =	vadd.s32 v7, v16;
	[tilespmem:$0x100D0] =	vst v12  }
0x87: {  	[tilespmem:$0x100A0] =	vst v11  }
0x88: {  	[tilespmem:$0x10080] =	vst v9  }
0x89: {  	[tilespmem:$0x10090] =	vst v10  }
0x8a: {  	[hbm4b:s8+s2] =	stream.linear.scatter [tilespmem:s2], [sflag:$0x1], $0x10000, $0x38;
	[tilespmem:$0x10180] =	vst v63  }
0x8b: {  	_ = 	snop  }
0x8c: {  	[hbm4b:s9+s2] =	stream.linear.scatter [tilespmem:s2], [sflag:$0x1], $0x10000, $0x38;
	[tilespmem:$0x10180] =	vst v63  }
0x8d: {  	_ = 	snop  }
0x8e: {  	[hbm4b:s10+s2] =	stream.linear.scatter [tilespmem:s2], [sflag:$0x1], $0x10000, $0x38;
	[tilespmem:$0x10180] =	vst v63  }
0x8f: {  	_ = 	snop  }
0x90: {  	[hbm4b:s11+s2] =	stream.linear.scatter [tilespmem:s2], [sflag:$0x1], $0x10000, $0x38;
	[tilespmem:$0x10180] =	vst v63  }
0x91: {  	_ = 	snop  }
0x92: {  	[hbm4b:s12+s2] =	stream.linear.scatter [tilespmem:s2], [sflag:$0x1], $0x10000, $0x38;
	[tilespmem:$0x10180] =	vst v63  }
0x93: {  	_ = 	snop  }
0x94: {  	[hbm4b:s13+s2] =	stream.linear.scatter [tilespmem:s2], [sflag:$0x1], $0x10000, $0x38;
	[tilespmem:$0x10180] =	vst v63  }
0x95: {  	_ = 	snop  }
0x96: {  	[hbm4b:s14+s2] =	stream.linear.scatter [tilespmem:s2], [sflag:$0x1], $0x10000, $0x38;
	[tilespmem:$0x10180] =	vst v63  }
0x97: {  	_ = 	snop  }
0x98: {  	[hbm4b:s15+s2] =	stream.linear.scatter [tilespmem:s2], [sflag:$0x1], $0x10000, $0x38;
	[tilespmem:$0x10180] =	vst v63  }
0x99: {  	_ = 	snop  }
0x9a: {  	[hbm4b:s16+s2] =	stream.linear.scatter [tilespmem:s2], [sflag:$0x1], $0x10000, $0x38;
	[tilespmem:$0x10180] =	vst v63  }
0x9b: {  	_ = 	snop  }
0x9c: {  	[hbm4b:s17+s2] =	stream.linear.scatter [tilespmem:s2], [sflag:$0x1], $0x10000, $0x38;
	[tilespmem:$0x10180] =	vst v63  }
0x9d: {  	_ = 	snop  }
0x9e: {  	[hbm4b:s18+s2] =	stream.linear.scatter [tilespmem:s2], [sflag:$0x1], $0x10000, $0x38;
	[tilespmem:$0x10180] =	vst v63  }
0x9f: {  	_ = 	snop  }
0xa0: {  	[hbm4b:s19+s2] =	stream.linear.scatter [tilespmem:s2], [sflag:$0x1], $0x10000, $0x38;
	[tilespmem:$0x10180] =	vst v63  }
0xa1: {  	_ = 	snop  }
0xa2: {  	[hbm4b:s20+s2] =	stream.linear.scatter [tilespmem:s2], [sflag:$0x1], $0x10000, $0x38;
	[tilespmem:$0x10180] =	vst v63  }
0xa3: {  	_ = 	snop  }
0xa4: {  	[hbm4b:s22+s2] =	stream.linear.scatter [tilespmem:s2], [sflag:$0x1], $0x10000, $0x38;
	[tilespmem:$0x10180] =	vst v63  }
0xa5: {  	_ = 	snop  }
0xa6: {  	[hbm4b:s23+s2] =	stream.linear.scatter [tilespmem:s2], [sflag:$0x1], $0x10000, $0x38;
	[tilespmem:$0x10180] =	vst v63  }
0xa7: {  	_ = 	snop  }
0xa8: {  	[hbm4b:s24+s2] =	stream.linear.scatter [tilespmem:s2], [sflag:$0x1], $0x10000, $0x38;
	[tilespmem:$0x10180] =	vst v63  }
0xa9: {  	_ =	swait.ge [sflag:s21], $0x10000  }
0xaa: {  	[sflag:s21] =	ssyncset.done $0x0  }
0xab: {  	[sflag:s21] =	ssyncadd.s32 $0xFFFF0000  }
0xac: {  	_ =	swait.ge [sflag:s21], $0x10000  }
0xad: {  	[sflag:s21] =	ssyncset.done $0x0  }
0xae: {  	[sflag:s21] =	ssyncadd.s32 $0xFFFF0000  }
0xaf: {  	_ =	swait.ge [sflag:s21], $0x10000  }
0xb0: {  	[sflag:s21] =	ssyncset.done $0x0  }
0xb1: {  	[sflag:s21] =	ssyncadd.s32 $0xFFFF0000  }
0xb2: {  	_ =	swait.ge [sflag:s21], $0x10000  }
0xb3: {  	[sflag:s21] =	ssyncset.done $0x0  }
0xb4: {  	[sflag:s21] =	ssyncadd.s32 $0xFFFF0000  }
0xb5: {  	_ =	swait.ge [sflag:s21], $0x10000  }
0xb6: {  	[sflag:s21] =	ssyncset.done $0x0  }
0xb7: {  	[sflag:s21] =	ssyncadd.s32 $0xFFFF0000  }
0xb8: {  	_ =	swait.ge [sflag:s21], $0x10000  }
0xb9: {  	[sflag:s21] =	ssyncset.done $0x0  }
0xba: {  	[sflag:s21] =	ssyncadd.s32 $0xFFFF0000  }
0xbb: {  	_ =	swait.ge [sflag:s21], $0x10000  }
0xbc: {  	[sflag:s21] =	ssyncset.done $0x0  }
0xbd: {  	[sflag:s21] =	ssyncadd.s32 $0xFFFF0000  }
0xbe: {  	_ =	swait.ge [sflag:s21], $0x10000  }
0xbf: {  	[sflag:s21] =	ssyncset.done $0x0  }
0xc0: {  	[sflag:s21] =	ssyncadd.s32 $0xFFFF0000  }
0xc1: {  	_ =	swait.ge [sflag:s21], $0x10000  }
0xc2: {  	[sflag:s21] =	ssyncset.done $0x0  }
0xc3: {  	[sflag:s21] =	ssyncadd.s32 $0xFFFF0000  }
0xc4: {  	_ =	swait.ge [sflag:s21], $0x10000  }
0xc5: {  	[sflag:s21] =	ssyncset.done $0x0  }
0xc6: {  	[sflag:s21] =	ssyncadd.s32 $0xFFFF0000  }
0xc7: {  	_ =	swait.ge [sflag:s21], $0x10000  }
0xc8: {  	[sflag:s21] =	ssyncset.done $0x0  }
0xc9: {  	[sflag:s21] =	ssyncadd.s32 $0xFFFF0000  }
0xca: {  	_ =	swait.ge [sflag:s21], $0x10000  }
0xcb: {  	[sflag:s21] =	ssyncset.done $0x0  }
0xcc: {  	[sflag:s21] =	ssyncadd.s32 $0xFFFF0000  }
0xcd: {  	_ =	swait.ge [sflag:s21], $0x10000  }
.Ltmp1:
0xce: {  	[sflag:s21] =	ssyncset.done $0x0;
	(pc) =	sbr.rel @p0 .LBB2_1-.Ltmp1, $4  }
0xcf: {  	[sflag:s21] =	ssyncadd.s32 $0xFFFF0000  }
0xd0: {  	_ =	swait.ge [sflag:s21], $0x10000  }
0xd1: {  	[sflag:s21] =	ssyncset.done $0x0  }
0xd2: {  	[sflag:s21] =	ssyncadd.s32 $0xFFFF0000  }
.LBB2_2:
0xd3: {  	_ =	swait.ge [sflag:s21], $0x10000  }
0xd4: {  	[sflag:s21] =	ssyncset.done $0x0  }
0xd5: {  	[sflag:s21] =	ssyncadd.s32 $0xFFFF0000  }
0xd6: {  	_ =	swait.ge [sflag:s21], $0x10000  }
0xd7: {  	[sflag:s21] =	ssyncset.done $0x0  }
0xd8: {  	[sflag:s21] =	ssyncadd.s32 $0xFFFF0000  }
0xd9: {  	[hbm4b:s7+s25] =	stream.indirect.scatter [tilespmem:s29], [sflag:$0x2], $0x1, s28, s25, $0xb8;
	[tilespmem:$0x10180] =	vst v63  }
0xda: {  	_ =	swait.ge [sflag:s26], $0x80  }
0xdb: {  	[sflag:s26] =	ssyncset.done $0x0  }
0xdc: {  	[sflag:s26] =	ssyncadd.s32 $0xFFFFFF80  }
0xdd: {  	_ =	sfence.sel $0x180000  }
0xde: {  	[bflag:$0x0] =	sbarrier.arrive $0xFFFF  }
0xdf: {  	p0 =	sne.s32 s1, $0x0;
	_ =	strace $0x90000047  }
0xe0: {  	s0 =	sadd.s32 @!p0 $0x100000, s0;
	[bflag:$0x2] =	sbarrier.arrive $0xFFFF  }
0xe1: {  	[sflag:s0] =	ssyncadd.tile.s32 @!p0 $0x1;
	_ =	shalt  }
.Lfunc_end2:
_tile_overlayer_lowered:
.L_overlay_start_2:
0xe2: {  	(tag) =	ssettag $0x2  }
0xe3: {  	s0 =	rddreg [dreg:$0x0];
	s2 =	stileid.u32  }
0xe4: {  	s1 =	rddreg [dreg:$0x1];
	p0 =	sne.s32 s2, $0x0  }
0xe5: {  	s3 =	rddreg [dreg:$0x2];
	[bflag:$0x3] =	sbarrier.arrive $0xFFFF;
	s2 =	simm.s32 @!p0 $0x1C03  }
0xe6: {  	[timem:s3], [sflag:s2] =	dma.local @!p0 [hbm:s0], s1  }
0xe7: {  	s0 =	simm.s32 @!p0 $0x3  }
0xe8: {  	_ =	swait.ge @!p0 [sflag:s0], s1  }
0xe9: {  	s1 =	ssub.s32 @!p0 $0x0, s1;
	[sflag:s0] =	ssyncset.done @!p0 $0x0  }
0xea: {  	[sflag:s0] =	ssyncadd.s32 @!p0 s1  }
0xeb: {  	[bflag:$0x3] =	sbarrier.arrive $0xFFFF  }
0xec: {  	_ =	shalt  }

</sc_bundles>
